<compile_context>
chip_gen: v7x
topology: tpu7x:2x2x1
jax: 0.10.2.dev20260603
libtpu: 0.0.44.dev20260713+nightly
codegen_flags: <defaults>
</compile_context>

<pallas_src>
import jax
import jax.numpy as jnp
from jax import lax
from jax.experimental import pallas as pl
from jax.experimental.pallas import tpu as pltpu
from jax.experimental.pallas import tpu_sc as plsc

D = 32
B = 16384
NW = 32
BPW = B // NW
NCHUNK = 4
CHUNK = BPW // NCHUNK
L = 16


def _gmf_body(ui_hbm, ii_hbm, ut_hbm, it_hbm, w_hbm, b_hbm, out_hbm,
              idx_u, idx_i, rows_u, rows_i, outv, wv, bv,
              sem_u, sem_i):
    wid = lax.axis_index("s") * 2 + lax.axis_index("c")
    base = wid * BPW

    pltpu.sync_copy(ui_hbm.at[wid], idx_u)
    pltpu.sync_copy(ii_hbm.at[wid], idx_i)
    pltpu.sync_copy(w_hbm, wv)
    pltpu.sync_copy(b_hbm, bv)

    copies = []
    for j in range(NCHUNK):
        copies.append(pltpu.async_copy(
            ut_hbm.at[idx_u.at[j]], rows_u.at[pl.ds(j * CHUNK, CHUNK)], sem_u))
        copies.append(pltpu.async_copy(
            it_hbm.at[idx_i.at[j]], rows_i.at[pl.ds(j * CHUNK, CHUNK)], sem_i))
    for c in copies:
        c.wait()

    w_lo = wv[pl.ds(0, L)]
    w_hi = wv[pl.ds(L, L)]
    b_v = bv[...]

    lanes = lax.iota(jnp.int32, L)

    def grp_body(g, carry):
        v = jnp.zeros((L,), jnp.float32)
        for l in range(L):
            r = g * L + l
            p = (rows_u[r, pl.ds(0, L)] * rows_i[r, pl.ds(0, L)] * w_lo
                 + rows_u[r, pl.ds(L, L)] * rows_i[r, pl.ds(L, L)] * w_hi)
            v = jnp.where(lanes == l, jnp.sum(p), v)
        logits = v + b_v
        outv[pl.ds(g * L, L)] = 1.0 / (1.0 + jnp.exp(-logits))
        return carry

    lax.fori_loop(0, BPW // L, grp_body, 0)

    pltpu.sync_copy(outv, out_hbm.at[pl.ds(base, BPW)])


@jax.jit
def _gmf(ui3, ii3, user_table, item_table, w32, b16):
    mesh = plsc.VectorSubcoreMesh(core_axis_name="c", subcore_axis_name="s")
    f = pl.kernel(
        _gmf_body,
        out_type=jax.ShapeDtypeStruct((B,), jnp.float32),
        mesh=mesh,
        compiler_params=pltpu.CompilerParams(
            use_tc_tiling_on_sc=False, needs_layout_passes=False),
        scratch_types=[
            pltpu.VMEM((NCHUNK, CHUNK), jnp.int32),
            pltpu.VMEM((NCHUNK, CHUNK), jnp.int32),
            pltpu.VMEM((BPW, D), jnp.float32),
            pltpu.VMEM((BPW, D), jnp.float32),
            pltpu.VMEM((BPW,), jnp.float32),
            pltpu.VMEM((D,), jnp.float32),
            pltpu.VMEM((L,), jnp.float32),
            pltpu.SemaphoreType.DMA,
            pltpu.SemaphoreType.DMA,
        ],
    )
    return f(ui3, ii3, user_table, item_table, w32, b16)


def kernel(user_indices, item_indices, user_table, item_table, W, b):
    ui3 = user_indices.astype(jnp.int32).reshape(NW, NCHUNK, CHUNK)
    ii3 = item_indices.astype(jnp.int32).reshape(NW, NCHUNK, CHUNK)
    w32 = W.reshape(D)
    b16 = jnp.broadcast_to(b, (L,))
    out = _gmf(ui3, ii3, user_table, item_table, w32, b16)
    return out.reshape(B, 1)

# --- scband reference (transcript-rebuilt; emitter-appended) ---
"""Pipeline reference for scband-gmfwith-output-28604482191650 (READ-ONLY COPY).

The authoritative reference and input builder live on the scoring server;
editing this copy changes nothing except your own understanding.
"""

import jax, jax.numpy as jnp
import numpy as np

NUM_USERS = 1000000
NUM_ITEMS = 1000000
LATENT_DIM = 32
BATCH = 16384


def setup_inputs(seed: int = 0) -> dict:
    key = jax.random.key(seed)
    k1, k2, k3, k4, k5, k6 = jax.random.split(key, 6)
    user_indices = jax.random.randint(k1, (BATCH,), 0, NUM_USERS, dtype=jnp.int64 if jax.config.jax_enable_x64 else jnp.int32)
    item_indices = jax.random.randint(k2, (BATCH,), 0, NUM_ITEMS, dtype=jnp.int64 if jax.config.jax_enable_x64 else jnp.int32)
    user_table = jax.random.normal(k3, (NUM_USERS, LATENT_DIM), dtype=jnp.float32) * 0.01
    item_table = jax.random.normal(k4, (NUM_ITEMS, LATENT_DIM), dtype=jnp.float32) * 0.01
    W = jax.random.normal(k5, (1, LATENT_DIM), dtype=jnp.float32) * 0.01
    b = jnp.zeros((1,), dtype=jnp.float32)
    return {"user_indices": user_indices, "item_indices": item_indices,
            "user_table": user_table, "item_table": item_table, "W": W, "b": b}


def reference(user_indices, item_indices, user_table, item_table, W, b):
    # GMF: element-wise product of user and item embeddings
    eu = jnp.take(user_table, user_indices, axis=0)   # [B, D] gather
    ei = jnp.take(item_table, item_indices, axis=0)   # [B, D] gather
    element_product = eu * ei                          # [B, D]
    # affine_output: Linear(latent_dim -> 1)
    logits = element_product @ W.T + b                 # [B, 1]
    rating = jax.nn.sigmoid(logits)                    # [B, 1]
    return rating

if __name__ == "__main__":
    import jax
    _d = setup_inputs()
    print(jax.jit(kernel)(*tuple(_d.values())))

</pallas_src>

<mosaic_0001>
#map = affine_map<(d0, d1) -> (0, 0, 0)>
#map1 = affine_map<(d0, d1) -> (0, 0)>
#map2 = affine_map<(d0, d1) -> (0)>
module attributes {stable_mosaic.version = 14 : i64} {
  func.func @_gmf_body(%arg0: i32, %arg1: i32, %arg2: memref<32x4x128xi32, #tpu.memory_space<hbm>>, %arg3: memref<32x4x128xi32, #tpu.memory_space<hbm>>, %arg4: memref<1000000x32xf32, #tpu.memory_space<hbm>>, %arg5: memref<1000000x32xf32, #tpu.memory_space<hbm>>, %arg6: memref<32xf32, #tpu.memory_space<hbm>>, %arg7: memref<16xf32, #tpu.memory_space<hbm>>, %arg8: memref<16384xf32, #tpu.memory_space<hbm>>, %arg9: memref<4x128xi32, #tpu.memory_space<vmem>>, %arg10: memref<4x128xi32, #tpu.memory_space<vmem>>, %arg11: memref<512x32xf32, #tpu.memory_space<vmem>>, %arg12: memref<512x32xf32, #tpu.memory_space<vmem>>, %arg13: memref<512xf32, #tpu.memory_space<vmem>>, %arg14: memref<32xf32, #tpu.memory_space<vmem>>, %arg15: memref<16xf32, #tpu.memory_space<vmem>>, %arg16: memref<!tpu.dma_semaphore, #tpu.memory_space<semaphore_mem>>, %arg17: memref<!tpu.dma_semaphore, #tpu.memory_space<semaphore_mem>>) attributes {dimension_semantics = [#tpu.dimension_semantics<core_parallel>, #tpu.dimension_semantics<subcore_parallel>], iteration_bounds = array<i64: 2, 16>, scalar_prefetch = 0 : i64, scratch_operands = 9 : i64, tpu.core_type = #tpu.core_type<sc_vector_subcore>, window_params = [{transform_indices = #map}, {transform_indices = #map}, {transform_indices = #map1}, {transform_indices = #map1}, {transform_indices = #map2}, {transform_indices = #map2}, {transform_indices = #map2}]} {
    %mul3A = arith.constant 2 : i32
    %mul3A_0 = arith.muli %arg1, %mul3A : i32
    %add3A = arith.addi %mul3A_0, %arg0 : i32
    %mul3A_1 = arith.constant 512 : i32
    %mul3A_2 = arith.muli %add3A, %mul3A_1 : i32
    "tpu.region"() ({
      %run_scoped3A = tpu.sem_alloc : memref<!tpu.dma_semaphore, #tpu.memory_space<semaphore_mem>>
      %dma_start3A_171 = arith.constant 0 : i32
      %dma_start3A_172 = arith.constant 0 : i32
      %dma_start3A_173 = tpu.memref_slice %arg2[%add3A, %dma_start3A_171, %dma_start3A_172] : memref<32x4x128xi32, #tpu.memory_space<hbm>> -> memref<1x4x128xi32, #tpu.memory_space<hbm>>
      %dma_start3A_174 = tpu.memref_squeeze %dma_start3A_173 : memref<1x4x128xi32, #tpu.memory_space<hbm>> -> memref<4x128xi32, #tpu.memory_space<hbm>>
      %dma_start3A_175 = arith.constant 0 : i32
      %dma_start3A_176 = arith.constant 0 : i32
      %dma_start3A_177 = tpu.memref_slice %arg2[%add3A, %dma_start3A_175, %dma_start3A_176] : memref<32x4x128xi32, #tpu.memory_space<hbm>> -> memref<1x4x128xi32, #tpu.memory_space<hbm>>
      %dma_start3A_178 = tpu.memref_squeeze %dma_start3A_177 : memref<1x4x128xi32, #tpu.memory_space<hbm>> -> memref<4x128xi32, #tpu.memory_space<hbm>>
      tpu.enqueue_dma source(%dma_start3A_178 : memref<4x128xi32, #tpu.memory_space<hbm>>) target(%arg9 : memref<4x128xi32, #tpu.memory_space<vmem>>) target_semaphore(%run_scoped3A : memref<!tpu.dma_semaphore, #tpu.memory_space<semaphore_mem>>)
      %dma_wait3A_179 = arith.constant 0 : i32
      %dma_wait3A_180 = arith.constant 0 : i32
      %dma_wait3A_181 = tpu.memref_slice %arg2[%add3A, %dma_wait3A_179, %dma_wait3A_180] : memref<32x4x128xi32, #tpu.memory_space<hbm>> -> memref<1x4x128xi32, #tpu.memory_space<hbm>>
      %dma_wait3A_182 = tpu.memref_squeeze %dma_wait3A_181 : memref<1x4x128xi32, #tpu.memory_space<hbm>> -> memref<4x128xi32, #tpu.memory_space<hbm>>
      %dma_wait3A_183 = arith.constant 0 : i32
      %dma_wait3A_184 = arith.constant 0 : i32
      %dma_wait3A_185 = tpu.memref_slice %arg2[%add3A, %dma_wait3A_183, %dma_wait3A_184] : memref<32x4x128xi32, #tpu.memory_space<hbm>> -> memref<1x4x128xi32, #tpu.memory_space<hbm>>
      %dma_wait3A_186 = tpu.memref_squeeze %dma_wait3A_185 : memref<1x4x128xi32, #tpu.memory_space<hbm>> -> memref<4x128xi32, #tpu.memory_space<hbm>>
      tpu.wait_dma2 semaphore(%run_scoped3A : memref<!tpu.dma_semaphore, #tpu.memory_space<semaphore_mem>>) src(%dma_wait3A_186 : memref<4x128xi32, #tpu.memory_space<hbm>>) dst(%arg9 : memref<4x128xi32, #tpu.memory_space<vmem>>)
      tpu.yield
    }) : () -> ()
    "tpu.region"() ({
      %run_scoped3A = tpu.sem_alloc : memref<!tpu.dma_semaphore, #tpu.memory_space<semaphore_mem>>
      %dma_start3A_171 = arith.constant 0 : i32
      %dma_start3A_172 = arith.constant 0 : i32
      %dma_start3A_173 = tpu.memref_slice %arg3[%add3A, %dma_start3A_171, %dma_start3A_172] : memref<32x4x128xi32, #tpu.memory_space<hbm>> -> memref<1x4x128xi32, #tpu.memory_space<hbm>>
      %dma_start3A_174 = tpu.memref_squeeze %dma_start3A_173 : memref<1x4x128xi32, #tpu.memory_space<hbm>> -> memref<4x128xi32, #tpu.memory_space<hbm>>
      %dma_start3A_175 = arith.constant 0 : i32
      %dma_start3A_176 = arith.constant 0 : i32
      %dma_start3A_177 = tpu.memref_slice %arg3[%add3A, %dma_start3A_175, %dma_start3A_176] : memref<32x4x128xi32, #tpu.memory_space<hbm>> -> memref<1x4x128xi32, #tpu.memory_space<hbm>>
      %dma_start3A_178 = tpu.memref_squeeze %dma_start3A_177 : memref<1x4x128xi32, #tpu.memory_space<hbm>> -> memref<4x128xi32, #tpu.memory_space<hbm>>
      tpu.enqueue_dma source(%dma_start3A_178 : memref<4x128xi32, #tpu.memory_space<hbm>>) target(%arg10 : memref<4x128xi32, #tpu.memory_space<vmem>>) target_semaphore(%run_scoped3A : memref<!tpu.dma_semaphore, #tpu.memory_space<semaphore_mem>>)
      %dma_wait3A_179 = arith.constant 0 : i32
      %dma_wait3A_180 = arith.constant 0 : i32
      %dma_wait3A_181 = tpu.memref_slice %arg3[%add3A, %dma_wait3A_179, %dma_wait3A_180] : memref<32x4x128xi32, #tpu.memory_space<hbm>> -> memref<1x4x128xi32, #tpu.memory_space<hbm>>
      %dma_wait3A_182 = tpu.memref_squeeze %dma_wait3A_181 : memref<1x4x128xi32, #tpu.memory_space<hbm>> -> memref<4x128xi32, #tpu.memory_space<hbm>>
      %dma_wait3A_183 = arith.constant 0 : i32
      %dma_wait3A_184 = arith.constant 0 : i32
      %dma_wait3A_185 = tpu.memref_slice %arg3[%add3A, %dma_wait3A_183, %dma_wait3A_184] : memref<32x4x128xi32, #tpu.memory_space<hbm>> -> memref<1x4x128xi32, #tpu.memory_space<hbm>>
      %dma_wait3A_186 = tpu.memref_squeeze %dma_wait3A_185 : memref<1x4x128xi32, #tpu.memory_space<hbm>> -> memref<4x128xi32, #tpu.memory_space<hbm>>
      tpu.wait_dma2 semaphore(%run_scoped3A : memref<!tpu.dma_semaphore, #tpu.memory_space<semaphore_mem>>) src(%dma_wait3A_186 : memref<4x128xi32, #tpu.memory_space<hbm>>) dst(%arg10 : memref<4x128xi32, #tpu.memory_space<vmem>>)
      tpu.yield
    }) : () -> ()
    "tpu.region"() ({
      %run_scoped3A = tpu.sem_alloc : memref<!tpu.dma_semaphore, #tpu.memory_space<semaphore_mem>>
      tpu.enqueue_dma source(%arg6 : memref<32xf32, #tpu.memory_space<hbm>>) target(%arg14 : memref<32xf32, #tpu.memory_space<vmem>>) target_semaphore(%run_scoped3A : memref<!tpu.dma_semaphore, #tpu.memory_space<semaphore_mem>>)
      tpu.wait_dma2 semaphore(%run_scoped3A : memref<!tpu.dma_semaphore, #tpu.memory_space<semaphore_mem>>) src(%arg6 : memref<32xf32, #tpu.memory_space<hbm>>) dst(%arg14 : memref<32xf32, #tpu.memory_space<vmem>>)
      tpu.yield
    }) : () -> ()
    "tpu.region"() ({
      %run_scoped3A = tpu.sem_alloc : memref<!tpu.dma_semaphore, #tpu.memory_space<semaphore_mem>>
      tpu.enqueue_dma source(%arg7 : memref<16xf32, #tpu.memory_space<hbm>>) target(%arg15 : memref<16xf32, #tpu.memory_space<vmem>>) target_semaphore(%run_scoped3A : memref<!tpu.dma_semaphore, #tpu.memory_space<semaphore_mem>>)
      tpu.wait_dma2 semaphore(%run_scoped3A : memref<!tpu.dma_semaphore, #tpu.memory_space<semaphore_mem>>) src(%arg7 : memref<16xf32, #tpu.memory_space<hbm>>) dst(%arg15 : memref<16xf32, #tpu.memory_space<vmem>>)
      tpu.yield
    }) : () -> ()
    %dma_start3A = arith.constant 0 : i32
    %dma_start3A_3 = arith.constant 0 : i32
    %dma_start3A_4 = arith.constant 0 : i32
    %dma_start3A_5 = tpu.memref_slice %arg11[%dma_start3A_3, %dma_start3A_4] : memref<512x32xf32, #tpu.memory_space<vmem>> -> memref<128x32xf32, #tpu.memory_space<vmem>>
    %dma_start3A_6 = arith.constant 0 : i32
    %dma_start3A_7 = tpu.memref_slice %arg9[%dma_start3A, %dma_start3A_6] : memref<4x128xi32, #tpu.memory_space<vmem>> -> memref<1x128xi32, #tpu.memory_space<vmem>>
    %dma_start3A_8 = tpu.memref_squeeze %dma_start3A_7 : memref<1x128xi32, #tpu.memory_space<vmem>> -> memref<128xi32, #tpu.memory_space<vmem>>
    %dma_start3A_9 = arith.constant 0 : i32
    %dma_start3A_10 = arith.constant 0 : i32
    %dma_start3A_11 = tpu.memref_slice %arg4[%dma_start3A_9, %dma_start3A_10] : memref<1000000x32xf32, #tpu.memory_space<hbm>> -> memref<1000000x32xf32, #tpu.memory_space<hbm>>
    tpu.enqueue_indirect_dma source(%dma_start3A_11 : memref<1000000x32xf32, #tpu.memory_space<hbm>>) target(%dma_start3A_5 : memref<128x32xf32, #tpu.memory_space<vmem>>) offsets(%dma_start3A_8 : memref<128xi32, #tpu.memory_space<vmem>>) semaphore(%arg16 : memref<!tpu.dma_semaphore, #tpu.memory_space<semaphore_mem>>)
    %dma_start3A_12 = arith.constant 0 : i32
    %dma_start3A_13 = arith.constant 0 : i32
    %dma_start3A_14 = arith.constant 0 : i32
    %dma_start3A_15 = tpu.memref_slice %arg12[%dma_start3A_13, %dma_start3A_14] : memref<512x32xf32, #tpu.memory_space<vmem>> -> memref<128x32xf32, #tpu.memory_space<vmem>>
    %dma_start3A_16 = arith.constant 0 : i32
    %dma_start3A_17 = tpu.memref_slice %arg10[%dma_start3A_12, %dma_start3A_16] : memref<4x128xi32, #tpu.memory_space<vmem>> -> memref<1x128xi32, #tpu.memory_space<vmem>>
    %dma_start3A_18 = tpu.memref_squeeze %dma_start3A_17 : memref<1x128xi32, #tpu.memory_space<vmem>> -> memref<128xi32, #tpu.memory_space<vmem>>
    %dma_start3A_19 = arith.constant 0 : i32
    %dma_start3A_20 = arith.constant 0 : i32
    %dma_start3A_21 = tpu.memref_slice %arg5[%dma_start3A_19, %dma_start3A_20] : memref<1000000x32xf32, #tpu.memory_space<hbm>> -> memref<1000000x32xf32, #tpu.memory_space<hbm>>
    tpu.enqueue_indirect_dma source(%dma_start3A_21 : memref<1000000x32xf32, #tpu.memory_space<hbm>>) target(%dma_start3A_15 : memref<128x32xf32, #tpu.memory_space<vmem>>) offsets(%dma_start3A_18 : memref<128xi32, #tpu.memory_space<vmem>>) semaphore(%arg17 : memref<!tpu.dma_semaphore, #tpu.memory_space<semaphore_mem>>)
    %dma_start3A_22 = arith.constant 1 : i32
    %dma_start3A_23 = arith.constant 128 : i32
    %dma_start3A_24 = arith.constant 0 : i32
    %dma_start3A_25 = tpu.memref_slice %arg11[%dma_start3A_23, %dma_start3A_24] : memref<512x32xf32, #tpu.memory_space<vmem>> -> memref<128x32xf32, #tpu.memory_space<vmem>>
    %dma_start3A_26 = arith.constant 0 : i32
    %dma_start3A_27 = tpu.memref_slice %arg9[%dma_start3A_22, %dma_start3A_26] : memref<4x128xi32, #tpu.memory_space<vmem>> -> memref<1x128xi32, #tpu.memory_space<vmem>>
    %dma_start3A_28 = tpu.memref_squeeze %dma_start3A_27 : memref<1x128xi32, #tpu.memory_space<vmem>> -> memref<128xi32, #tpu.memory_space<vmem>>
    %dma_start3A_29 = arith.constant 0 : i32
    %dma_start3A_30 = arith.constant 0 : i32
    %dma_start3A_31 = tpu.memref_slice %arg4[%dma_start3A_29, %dma_start3A_30] : memref<1000000x32xf32, #tpu.memory_space<hbm>> -> memref<1000000x32xf32, #tpu.memory_space<hbm>>
    tpu.enqueue_indirect_dma source(%dma_start3A_31 : memref<1000000x32xf32, #tpu.memory_space<hbm>>) target(%dma_start3A_25 : memref<128x32xf32, #tpu.memory_space<vmem>>) offsets(%dma_start3A_28 : memref<128xi32, #tpu.memory_space<vmem>>) semaphore(%arg16 : memref<!tpu.dma_semaphore, #tpu.memory_space<semaphore_mem>>)
    %dma_start3A_32 = arith.constant 1 : i32
    %dma_start3A_33 = arith.constant 128 : i32
    %dma_start3A_34 = arith.constant 0 : i32
    %dma_start3A_35 = tpu.memref_slice %arg12[%dma_start3A_33, %dma_start3A_34] : memref<512x32xf32, #tpu.memory_space<vmem>> -> memref<128x32xf32, #tpu.memory_space<vmem>>
    %dma_start3A_36 = arith.constant 0 : i32
    %dma_start3A_37 = tpu.memref_slice %arg10[%dma_start3A_32, %dma_start3A_36] : memref<4x128xi32, #tpu.memory_space<vmem>> -> memref<1x128xi32, #tpu.memory_space<vmem>>
    %dma_start3A_38 = tpu.memref_squeeze %dma_start3A_37 : memref<1x128xi32, #tpu.memory_space<vmem>> -> memref<128xi32, #tpu.memory_space<vmem>>
    %dma_start3A_39 = arith.constant 0 : i32
    %dma_start3A_40 = arith.constant 0 : i32
    %dma_start3A_41 = tpu.memref_slice %arg5[%dma_start3A_39, %dma_start3A_40] : memref<1000000x32xf32, #tpu.memory_space<hbm>> -> memref<1000000x32xf32, #tpu.memory_space<hbm>>
    tpu.enqueue_indirect_dma source(%dma_start3A_41 : memref<1000000x32xf32, #tpu.memory_space<hbm>>) target(%dma_start3A_35 : memref<128x32xf32, #tpu.memory_space<vmem>>) offsets(%dma_start3A_38 : memref<128xi32, #tpu.memory_space<vmem>>) semaphore(%arg17 : memref<!tpu.dma_semaphore, #tpu.memory_space<semaphore_mem>>)
    %dma_start3A_42 = arith.constant 2 : i32
    %dma_start3A_43 = arith.constant 256 : i32
    %dma_start3A_44 = arith.constant 0 : i32
    %dma_start3A_45 = tpu.memref_slice %arg11[%dma_start3A_43, %dma_start3A_44] : memref<512x32xf32, #tpu.memory_space<vmem>> -> memref<128x32xf32, #tpu.memory_space<vmem>>
    %dma_start3A_46 = arith.constant 0 : i32
    %dma_start3A_47 = tpu.memref_slice %arg9[%dma_start3A_42, %dma_start3A_46] : memref<4x128xi32, #tpu.memory_space<vmem>> -> memref<1x128xi32, #tpu.memory_space<vmem>>
    %dma_start3A_48 = tpu.memref_squeeze %dma_start3A_47 : memref<1x128xi32, #tpu.memory_space<vmem>> -> memref<128xi32, #tpu.memory_space<vmem>>
    %dma_start3A_49 = arith.constant 0 : i32
    %dma_start3A_50 = arith.constant 0 : i32
    %dma_start3A_51 = tpu.memref_slice %arg4[%dma_start3A_49, %dma_start3A_50] : memref<1000000x32xf32, #tpu.memory_space<hbm>> -> memref<1000000x32xf32, #tpu.memory_space<hbm>>
    tpu.enqueue_indirect_dma source(%dma_start3A_51 : memref<1000000x32xf32, #tpu.memory_space<hbm>>) target(%dma_start3A_45 : memref<128x32xf32, #tpu.memory_space<vmem>>) offsets(%dma_start3A_48 : memref<128xi32, #tpu.memory_space<vmem>>) semaphore(%arg16 : memref<!tpu.dma_semaphore, #tpu.memory_space<semaphore_mem>>)
    %dma_start3A_52 = arith.constant 2 : i32
    %dma_start3A_53 = arith.constant 256 : i32
    %dma_start3A_54 = arith.constant 0 : i32
    %dma_start3A_55 = tpu.memref_slice %arg12[%dma_start3A_53, %dma_start3A_54] : memref<512x32xf32, #tpu.memory_space<vmem>> -> memref<128x32xf32, #tpu.memory_space<vmem>>
    %dma_start3A_56 = arith.constant 0 : i32
    %dma_start3A_57 = tpu.memref_slice %arg10[%dma_start3A_52, %dma_start3A_56] : memref<4x128xi32, #tpu.memory_space<vmem>> -> memref<1x128xi32, #tpu.memory_space<vmem>>
    %dma_start3A_58 = tpu.memref_squeeze %dma_start3A_57 : memref<1x128xi32, #tpu.memory_space<vmem>> -> memref<128xi32, #tpu.memory_space<vmem>>
    %dma_start3A_59 = arith.constant 0 : i32
    %dma_start3A_60 = arith.constant 0 : i32
    %dma_start3A_61 = tpu.memref_slice %arg5[%dma_start3A_59, %dma_start3A_60] : memref<1000000x32xf32, #tpu.memory_space<hbm>> -> memref<1000000x32xf32, #tpu.memory_space<hbm>>
    tpu.enqueue_indirect_dma source(%dma_start3A_61 : memref<1000000x32xf32, #tpu.memory_space<hbm>>) target(%dma_start3A_55 : memref<128x32xf32, #tpu.memory_space<vmem>>) offsets(%dma_start3A_58 : memref<128xi32, #tpu.memory_space<vmem>>) semaphore(%arg17 : memref<!tpu.dma_semaphore, #tpu.memory_space<semaphore_mem>>)
    %dma_start3A_62 = arith.constant 3 : i32
    %dma_start3A_63 = arith.constant 384 : i32
    %dma_start3A_64 = arith.constant 0 : i32
    %dma_start3A_65 = tpu.memref_slice %arg11[%dma_start3A_63, %dma_start3A_64] : memref<512x32xf32, #tpu.memory_space<vmem>> -> memref<128x32xf32, #tpu.memory_space<vmem>>
    %dma_start3A_66 = arith.constant 0 : i32
    %dma_start3A_67 = tpu.memref_slice %arg9[%dma_start3A_62, %dma_start3A_66] : memref<4x128xi32, #tpu.memory_space<vmem>> -> memref<1x128xi32, #tpu.memory_space<vmem>>
    %dma_start3A_68 = tpu.memref_squeeze %dma_start3A_67 : memref<1x128xi32, #tpu.memory_space<vmem>> -> memref<128xi32, #tpu.memory_space<vmem>>
    %dma_start3A_69 = arith.constant 0 : i32
    %dma_start3A_70 = arith.constant 0 : i32
    %dma_start3A_71 = tpu.memref_slice %arg4[%dma_start3A_69, %dma_start3A_70] : memref<1000000x32xf32, #tpu.memory_space<hbm>> -> memref<1000000x32xf32, #tpu.memory_space<hbm>>
    tpu.enqueue_indirect_dma source(%dma_start3A_71 : memref<1000000x32xf32, #tpu.memory_space<hbm>>) target(%dma_start3A_65 : memref<128x32xf32, #tpu.memory_space<vmem>>) offsets(%dma_start3A_68 : memref<128xi32, #tpu.memory_space<vmem>>) semaphore(%arg16 : memref<!tpu.dma_semaphore, #tpu.memory_space<semaphore_mem>>)
    %dma_start3A_72 = arith.constant 3 : i32
    %dma_start3A_73 = arith.constant 384 : i32
    %dma_start3A_74 = arith.constant 0 : i32
    %dma_start3A_75 = tpu.memref_slice %arg12[%dma_start3A_73, %dma_start3A_74] : memref<512x32xf32, #tpu.memory_space<vmem>> -> memref<128x32xf32, #tpu.memory_space<vmem>>
    %dma_start3A_76 = arith.constant 0 : i32
    %dma_start3A_77 = tpu.memref_slice %arg10[%dma_start3A_72, %dma_start3A_76] : memref<4x128xi32, #tpu.memory_space<vmem>> -> memref<1x128xi32, #tpu.memory_space<vmem>>
    %dma_start3A_78 = tpu.memref_squeeze %dma_start3A_77 : memref<1x128xi32, #tpu.memory_space<vmem>> -> memref<128xi32, #tpu.memory_space<vmem>>
    %dma_start3A_79 = arith.constant 0 : i32
    %dma_start3A_80 = arith.constant 0 : i32
    %dma_start3A_81 = tpu.memref_slice %arg5[%dma_start3A_79, %dma_start3A_80] : memref<1000000x32xf32, #tpu.memory_space<hbm>> -> memref<1000000x32xf32, #tpu.memory_space<hbm>>
    tpu.enqueue_indirect_dma source(%dma_start3A_81 : memref<1000000x32xf32, #tpu.memory_space<hbm>>) target(%dma_start3A_75 : memref<128x32xf32, #tpu.memory_space<vmem>>) offsets(%dma_start3A_78 : memref<128xi32, #tpu.memory_space<vmem>>) semaphore(%arg17 : memref<!tpu.dma_semaphore, #tpu.memory_space<semaphore_mem>>)
    %dma_wait3A = arith.constant 0 : i32
    %dma_wait3A_82 = arith.constant 0 : i32
    %dma_wait3A_83 = arith.constant 0 : i32
    %dma_wait3A_84 = tpu.memref_slice %arg11[%dma_wait3A_82, %dma_wait3A_83] : memref<512x32xf32, #tpu.memory_space<vmem>> -> memref<128x32xf32, #tpu.memory_space<vmem>>
    %dma_wait3A_85 = arith.constant 0 : i32
    %dma_wait3A_86 = tpu.memref_slice %arg9[%dma_wait3A, %dma_wait3A_85] : memref<4x128xi32, #tpu.memory_space<vmem>> -> memref<1x128xi32, #tpu.memory_space<vmem>>
    %dma_wait3A_87 = tpu.memref_squeeze %dma_wait3A_86 : memref<1x128xi32, #tpu.memory_space<vmem>> -> memref<128xi32, #tpu.memory_space<vmem>>
    %dma_wait3A_88 = arith.constant 0 : i32
    %dma_wait3A_89 = arith.constant 0 : i32
    %dma_wait3A_90 = tpu.memref_slice %arg4[%dma_wait3A_88, %dma_wait3A_89] : memref<1000000x32xf32, #tpu.memory_space<hbm>> -> memref<1000000x32xf32, #tpu.memory_space<hbm>>
    tpu.wait_indirect_dma semaphore(%arg16 : memref<!tpu.dma_semaphore, #tpu.memory_space<semaphore_mem>>) src(%dma_wait3A_90 : memref<1000000x32xf32, #tpu.memory_space<hbm>>) dst(%dma_wait3A_84 : memref<128x32xf32, #tpu.memory_space<vmem>>)
    %dma_wait3A_91 = arith.constant 0 : i32
    %dma_wait3A_92 = arith.constant 0 : i32
    %dma_wait3A_93 = arith.constant 0 : i32
    %dma_wait3A_94 = tpu.memref_slice %arg12[%dma_wait3A_92, %dma_wait3A_93] : memref<512x32xf32, #tpu.memory_space<vmem>> -> memref<128x32xf32, #tpu.memory_space<vmem>>
    %dma_wait3A_95 = arith.constant 0 : i32
    %dma_wait3A_96 = tpu.memref_slice %arg10[%dma_wait3A_91, %dma_wait3A_95] : memref<4x128xi32, #tpu.memory_space<vmem>> -> memref<1x128xi32, #tpu.memory_space<vmem>>
    %dma_wait3A_97 = tpu.memref_squeeze %dma_wait3A_96 : memref<1x128xi32, #tpu.memory_space<vmem>> -> memref<128xi32, #tpu.memory_space<vmem>>
    %dma_wait3A_98 = arith.constant 0 : i32
    %dma_wait3A_99 = arith.constant 0 : i32
    %dma_wait3A_100 = tpu.memref_slice %arg5[%dma_wait3A_98, %dma_wait3A_99] : memref<1000000x32xf32, #tpu.memory_space<hbm>> -> memref<1000000x32xf32, #tpu.memory_space<hbm>>
    tpu.wait_indirect_dma semaphore(%arg17 : memref<!tpu.dma_semaphore, #tpu.memory_space<semaphore_mem>>) src(%dma_wait3A_100 : memref<1000000x32xf32, #tpu.memory_space<hbm>>) dst(%dma_wait3A_94 : memref<128x32xf32, #tpu.memory_space<vmem>>)
    %dma_wait3A_101 = arith.constant 1 : i32
    %dma_wait3A_102 = arith.constant 128 : i32
    %dma_wait3A_103 = arith.constant 0 : i32
    %dma_wait3A_104 = tpu.memref_slice %arg11[%dma_wait3A_102, %dma_wait3A_103] : memref<512x32xf32, #tpu.memory_space<vmem>> -> memref<128x32xf32, #tpu.memory_space<vmem>>
    %dma_wait3A_105 = arith.constant 0 : i32
    %dma_wait3A_106 = tpu.memref_slice %arg9[%dma_wait3A_101, %dma_wait3A_105] : memref<4x128xi32, #tpu.memory_space<vmem>> -> memref<1x128xi32, #tpu.memory_space<vmem>>
    %dma_wait3A_107 = tpu.memref_squeeze %dma_wait3A_106 : memref<1x128xi32, #tpu.memory_space<vmem>> -> memref<128xi32, #tpu.memory_space<vmem>>
    %dma_wait3A_108 = arith.constant 0 : i32
    %dma_wait3A_109 = arith.constant 0 : i32
    %dma_wait3A_110 = tpu.memref_slice %arg4[%dma_wait3A_108, %dma_wait3A_109] : memref<1000000x32xf32, #tpu.memory_space<hbm>> -> memref<1000000x32xf32, #tpu.memory_space<hbm>>
    tpu.wait_indirect_dma semaphore(%arg16 : memref<!tpu.dma_semaphore, #tpu.memory_space<semaphore_mem>>) src(%dma_wait3A_110 : memref<1000000x32xf32, #tpu.memory_space<hbm>>) dst(%dma_wait3A_104 : memref<128x32xf32, #tpu.memory_space<vmem>>)
    %dma_wait3A_111 = arith.constant 1 : i32
    %dma_wait3A_112 = arith.constant 128 : i32
    %dma_wait3A_113 = arith.constant 0 : i32
    %dma_wait3A_114 = tpu.memref_slice %arg12[%dma_wait3A_112, %dma_wait3A_113] : memref<512x32xf32, #tpu.memory_space<vmem>> -> memref<128x32xf32, #tpu.memory_space<vmem>>
    %dma_wait3A_115 = arith.constant 0 : i32
    %dma_wait3A_116 = tpu.memref_slice %arg10[%dma_wait3A_111, %dma_wait3A_115] : memref<4x128xi32, #tpu.memory_space<vmem>> -> memref<1x128xi32, #tpu.memory_space<vmem>>
    %dma_wait3A_117 = tpu.memref_squeeze %dma_wait3A_116 : memref<1x128xi32, #tpu.memory_space<vmem>> -> memref<128xi32, #tpu.memory_space<vmem>>
    %dma_wait3A_118 = arith.constant 0 : i32
    %dma_wait3A_119 = arith.constant 0 : i32
    %dma_wait3A_120 = tpu.memref_slice %arg5[%dma_wait3A_118, %dma_wait3A_119] : memref<1000000x32xf32, #tpu.memory_space<hbm>> -> memref<1000000x32xf32, #tpu.memory_space<hbm>>
    tpu.wait_indirect_dma semaphore(%arg17 : memref<!tpu.dma_semaphore, #tpu.memory_space<semaphore_mem>>) src(%dma_wait3A_120 : memref<1000000x32xf32, #tpu.memory_space<hbm>>) dst(%dma_wait3A_114 : memref<128x32xf32, #tpu.memory_space<vmem>>)
    %dma_wait3A_121 = arith.constant 2 : i32
    %dma_wait3A_122 = arith.constant 256 : i32
    %dma_wait3A_123 = arith.constant 0 : i32
    %dma_wait3A_124 = tpu.memref_slice %arg11[%dma_wait3A_122, %dma_wait3A_123] : memref<512x32xf32, #tpu.memory_space<vmem>> -> memref<128x32xf32, #tpu.memory_space<vmem>>
    %dma_wait3A_125 = arith.constant 0 : i32
    %dma_wait3A_126 = tpu.memref_slice %arg9[%dma_wait3A_121, %dma_wait3A_125] : memref<4x128xi32, #tpu.memory_space<vmem>> -> memref<1x128xi32, #tpu.memory_space<vmem>>
    %dma_wait3A_127 = tpu.memref_squeeze %dma_wait3A_126 : memref<1x128xi32, #tpu.memory_space<vmem>> -> memref<128xi32, #tpu.memory_space<vmem>>
    %dma_wait3A_128 = arith.constant 0 : i32
    %dma_wait3A_129 = arith.constant 0 : i32
    %dma_wait3A_130 = tpu.memref_slice %arg4[%dma_wait3A_128, %dma_wait3A_129] : memref<1000000x32xf32, #tpu.memory_space<hbm>> -> memref<1000000x32xf32, #tpu.memory_space<hbm>>
    tpu.wait_indirect_dma semaphore(%arg16 : memref<!tpu.dma_semaphore, #tpu.memory_space<semaphore_mem>>) src(%dma_wait3A_130 : memref<1000000x32xf32, #tpu.memory_space<hbm>>) dst(%dma_wait3A_124 : memref<128x32xf32, #tpu.memory_space<vmem>>)
    %dma_wait3A_131 = arith.constant 2 : i32
    %dma_wait3A_132 = arith.constant 256 : i32
    %dma_wait3A_133 = arith.constant 0 : i32
    %dma_wait3A_134 = tpu.memref_slice %arg12[%dma_wait3A_132, %dma_wait3A_133] : memref<512x32xf32, #tpu.memory_space<vmem>> -> memref<128x32xf32, #tpu.memory_space<vmem>>
    %dma_wait3A_135 = arith.constant 0 : i32
    %dma_wait3A_136 = tpu.memref_slice %arg10[%dma_wait3A_131, %dma_wait3A_135] : memref<4x128xi32, #tpu.memory_space<vmem>> -> memref<1x128xi32, #tpu.memory_space<vmem>>
    %dma_wait3A_137 = tpu.memref_squeeze %dma_wait3A_136 : memref<1x128xi32, #tpu.memory_space<vmem>> -> memref<128xi32, #tpu.memory_space<vmem>>
    %dma_wait3A_138 = arith.constant 0 : i32
    %dma_wait3A_139 = arith.constant 0 : i32
    %dma_wait3A_140 = tpu.memref_slice %arg5[%dma_wait3A_138, %dma_wait3A_139] : memref<1000000x32xf32, #tpu.memory_space<hbm>> -> memref<1000000x32xf32, #tpu.memory_space<hbm>>
    tpu.wait_indirect_dma semaphore(%arg17 : memref<!tpu.dma_semaphore, #tpu.memory_space<semaphore_mem>>) src(%dma_wait3A_140 : memref<1000000x32xf32, #tpu.memory_space<hbm>>) dst(%dma_wait3A_134 : memref<128x32xf32, #tpu.memory_space<vmem>>)
    %dma_wait3A_141 = arith.constant 3 : i32
    %dma_wait3A_142 = arith.constant 384 : i32
    %dma_wait3A_143 = arith.constant 0 : i32
    %dma_wait3A_144 = tpu.memref_slice %arg11[%dma_wait3A_142, %dma_wait3A_143] : memref<512x32xf32, #tpu.memory_space<vmem>> -> memref<128x32xf32, #tpu.memory_space<vmem>>
    %dma_wait3A_145 = arith.constant 0 : i32
    %dma_wait3A_146 = tpu.memref_slice %arg9[%dma_wait3A_141, %dma_wait3A_145] : memref<4x128xi32, #tpu.memory_space<vmem>> -> memref<1x128xi32, #tpu.memory_space<vmem>>
    %dma_wait3A_147 = tpu.memref_squeeze %dma_wait3A_146 : memref<1x128xi32, #tpu.memory_space<vmem>> -> memref<128xi32, #tpu.memory_space<vmem>>
    %dma_wait3A_148 = arith.constant 0 : i32
    %dma_wait3A_149 = arith.constant 0 : i32
    %dma_wait3A_150 = tpu.memref_slice %arg4[%dma_wait3A_148, %dma_wait3A_149] : memref<1000000x32xf32, #tpu.memory_space<hbm>> -> memref<1000000x32xf32, #tpu.memory_space<hbm>>
    tpu.wait_indirect_dma semaphore(%arg16 : memref<!tpu.dma_semaphore, #tpu.memory_space<semaphore_mem>>) src(%dma_wait3A_150 : memref<1000000x32xf32, #tpu.memory_space<hbm>>) dst(%dma_wait3A_144 : memref<128x32xf32, #tpu.memory_space<vmem>>)
    %dma_wait3A_151 = arith.constant 3 : i32
    %dma_wait3A_152 = arith.constant 384 : i32
    %dma_wait3A_153 = arith.constant 0 : i32
    %dma_wait3A_154 = tpu.memref_slice %arg12[%dma_wait3A_152, %dma_wait3A_153] : memref<512x32xf32, #tpu.memory_space<vmem>> -> memref<128x32xf32, #tpu.memory_space<vmem>>
    %dma_wait3A_155 = arith.constant 0 : i32
    %dma_wait3A_156 = tpu.memref_slice %arg10[%dma_wait3A_151, %dma_wait3A_155] : memref<4x128xi32, #tpu.memory_space<vmem>> -> memref<1x128xi32, #tpu.memory_space<vmem>>
    %dma_wait3A_157 = tpu.memref_squeeze %dma_wait3A_156 : memref<1x128xi32, #tpu.memory_space<vmem>> -> memref<128xi32, #tpu.memory_space<vmem>>
    %dma_wait3A_158 = arith.constant 0 : i32
    %dma_wait3A_159 = arith.constant 0 : i32
    %dma_wait3A_160 = tpu.memref_slice %arg5[%dma_wait3A_158, %dma_wait3A_159] : memref<1000000x32xf32, #tpu.memory_space<hbm>> -> memref<1000000x32xf32, #tpu.memory_space<hbm>>
    tpu.wait_indirect_dma semaphore(%arg17 : memref<!tpu.dma_semaphore, #tpu.memory_space<semaphore_mem>>) src(%dma_wait3A_160 : memref<1000000x32xf32, #tpu.memory_space<hbm>>) dst(%dma_wait3A_154 : memref<128x32xf32, #tpu.memory_space<vmem>>)
    %get3A = arith.constant 0 : index
    %get3A_161 = tpu.vector_load %arg14[%get3A] {strides = array<i32>} : memref<32xf32, #tpu.memory_space<vmem>>, vector<16xf32>,
    %get3A_162 = arith.constant 16 : index
    %get3A_163 = tpu.vector_load %arg14[%get3A_162] {strides = array<i32>} : memref<32xf32, #tpu.memory_space<vmem>>, vector<16xf32>,
    %get3A_164 = arith.constant 0 : index
    %get3A_165 = tpu.vector_load %arg15[%get3A_164] {strides = array<i32>} : memref<16xf32, #tpu.memory_space<vmem>>, vector<16xf32>,
    %iota3A = tpu.iota {dimensions = array<i32: 0>} : vector<16xi32>
    %scan3A = arith.constant 0 : i32
    %scan3A_166 = arith.constant 0 : i32
    %scan3A_167 = arith.constant 32 : i32
    %scan3A_168 = arith.addi %scan3A_166, %scan3A_167 : i32
    %scan3A_169 = arith.constant 1 : i32
    scf.for %scan3A_171 = %scan3A_166 to %scan3A_168 step %scan3A_169  : i32 {
      %broadcast_in_dim3A = arith.constant 0.000000e+00 : f32
      %broadcast_in_dim3A_172 = vector.broadcast %broadcast_in_dim3A : f32 to vector<16xf32>
      %mul3A_173 = arith.constant 16 : i32
      %mul3A_174 = arith.muli %scan3A_171, %mul3A_173 : i32
      %add3A_175 = arith.constant 0 : i32
      %add3A_176 = arith.addi %mul3A_174, %add3A_175 : i32
      %get3A_177 = arith.index_cast %add3A_176 : i32 to index
      %get3A_178 = arith.constant 0 : index
      %get3A_179 = tpu.vector_load %arg11[%get3A_177, %get3A_178] {strides = array<i32>} : memref<512x32xf32, #tpu.memory_space<vmem>>, vector<16xf32>,
      %get3A_180 = arith.index_cast %add3A_176 : i32 to index
      %get3A_181 = arith.constant 0 : index
      %get3A_182 = tpu.vector_load %arg12[%get3A_180, %get3A_181] {strides = array<i32>} : memref<512x32xf32, #tpu.memory_space<vmem>>, vector<16xf32>,
      %mul3A_183 = arith.mulf %get3A_179, %get3A_182 : vector<16xf32>
      %mul3A_184 = arith.mulf %mul3A_183, %get3A_161 : vector<16xf32>
      %get3A_185 = arith.index_cast %add3A_176 : i32 to index
      %get3A_186 = arith.constant 16 : index
      %get3A_187 = tpu.vector_load %arg11[%get3A_185, %get3A_186] {strides = array<i32>} : memref<512x32xf32, #tpu.memory_space<vmem>>, vector<16xf32>,
      %get3A_188 = arith.index_cast %add3A_176 : i32 to index
      %get3A_189 = arith.constant 16 : index
      %get3A_190 = tpu.vector_load %arg12[%get3A_188, %get3A_189] {strides = array<i32>} : memref<512x32xf32, #tpu.memory_space<vmem>>, vector<16xf32>,
      %mul3A_191 = arith.mulf %get3A_187, %get3A_190 : vector<16xf32>
      %mul3A_192 = arith.mulf %mul3A_191, %get3A_163 : vector<16xf32>
      %add3A_193 = arith.addf %mul3A_184, %mul3A_192 : vector<16xf32>
      %eq3A = arith.constant 0 : i32
      %eq3A_194 = vector.broadcast %eq3A : i32 to vector<16xi32>
      %eq3A_195 = arith.cmpi eq, %iota3A, %eq3A_194 : vector<16xi32>
      %reduce_sum3A = arith.constant true
      %reduce_sum3A_196 = vector.broadcast %reduce_sum3A : i1 to vector<16xi1>
      %reduce_sum3A_197 = tpu.scan <sum>, %add3A_193 masked %reduce_sum3A_196 : vector<16xf32>, vector<16xi1> -> vector<16xf32>
      %reduce_sum3A_198 = vector.extract %reduce_sum3A_197[15] : f32 from vector<16xf32>
      %broadcast_in_dim3A_199 = vector.broadcast %reduce_sum3A_198 : f32 to vector<16xf32>
      %select_n3A = arith.select %eq3A_195, %broadcast_in_dim3A_199, %broadcast_in_dim3A_172 : vector<16xi1>, vector<16xf32>
      %mul3A_200 = arith.constant 16 : i32
      %mul3A_201 = arith.muli %scan3A_171, %mul3A_200 : i32
      %add3A_202 = arith.constant 1 : i32
      %add3A_203 = arith.addi %mul3A_201, %add3A_202 : i32
      %get3A_204 = arith.index_cast %add3A_203 : i32 to index
      %get3A_205 = arith.constant 0 : index
      %get3A_206 = tpu.vector_load %arg11[%get3A_204, %get3A_205] {strides = array<i32>} : memref<512x32xf32, #tpu.memory_space<vmem>>, vector<16xf32>,
      %get3A_207 = arith.index_cast %add3A_203 : i32 to index
      %get3A_208 = arith.constant 0 : index
      %get3A_209 = tpu.vector_load %arg12[%get3A_207, %get3A_208] {strides = array<i32>} : memref<512x32xf32, #tpu.memory_space<vmem>>, vector<16xf32>,
      %mul3A_210 = arith.mulf %get3A_206, %get3A_209 : vector<16xf32>
      %mul3A_211 = arith.mulf %mul3A_210, %get3A_161 : vector<16xf32>
      %get3A_212 = arith.index_cast %add3A_203 : i32 to index
      %get3A_213 = arith.constant 16 : index
      %get3A_214 = tpu.vector_load %arg11[%get3A_212, %get3A_213] {strides = array<i32>} : memref<512x32xf32, #tpu.memory_space<vmem>>, vector<16xf32>,
      %get3A_215 = arith.index_cast %add3A_203 : i32 to index
      %get3A_216 = arith.constant 16 : index
      %get3A_217 = tpu.vector_load %arg12[%get3A_215, %get3A_216] {strides = array<i32>} : memref<512x32xf32, #tpu.memory_space<vmem>>, vector<16xf32>,
      %mul3A_218 = arith.mulf %get3A_214, %get3A_217 : vector<16xf32>
      %mul3A_219 = arith.mulf %mul3A_218, %get3A_163 : vector<16xf32>
      %add3A_220 = arith.addf %mul3A_211, %mul3A_219 : vector<16xf32>
      %eq3A_221 = arith.constant 1 : i32
      %eq3A_222 = vector.broadcast %eq3A_221 : i32 to vector<16xi32>
      %eq3A_223 = arith.cmpi eq, %iota3A, %eq3A_222 : vector<16xi32>
      %reduce_sum3A_224 = arith.constant true
      %reduce_sum3A_225 = vector.broadcast %reduce_sum3A_224 : i1 to vector<16xi1>
      %reduce_sum3A_226 = tpu.scan <sum>, %add3A_220 masked %reduce_sum3A_225 : vector<16xf32>, vector<16xi1> -> vector<16xf32>
      %reduce_sum3A_227 = vector.extract %reduce_sum3A_226[15] : f32 from vector<16xf32>
      %broadcast_in_dim3A_228 = vector.broadcast %reduce_sum3A_227 : f32 to vector<16xf32>
      %select_n3A_229 = arith.select %eq3A_223, %broadcast_in_dim3A_228, %select_n3A : vector<16xi1>, vector<16xf32>
      %mul3A_230 = arith.constant 16 : i32
      %mul3A_231 = arith.muli %scan3A_171, %mul3A_230 : i32
      %add3A_232 = arith.constant 2 : i32
      %add3A_233 = arith.addi %mul3A_231, %add3A_232 : i32
      %get3A_234 = arith.index_cast %add3A_233 : i32 to index
      %get3A_235 = arith.constant 0 : index
      %get3A_236 = tpu.vector_load %arg11[%get3A_234, %get3A_235] {strides = array<i32>} : memref<512x32xf32, #tpu.memory_space<vmem>>, vector<16xf32>,
      %get3A_237 = arith.index_cast %add3A_233 : i32 to index
      %get3A_238 = arith.constant 0 : index
      %get3A_239 = tpu.vector_load %arg12[%get3A_237, %get3A_238] {strides = array<i32>} : memref<512x32xf32, #tpu.memory_space<vmem>>, vector<16xf32>,
      %mul3A_240 = arith.mulf %get3A_236, %get3A_239 : vector<16xf32>
      %mul3A_241 = arith.mulf %mul3A_240, %get3A_161 : vector<16xf32>
      %get3A_242 = arith.index_cast %add3A_233 : i32 to index
      %get3A_243 = arith.constant 16 : index
      %get3A_244 = tpu.vector_load %arg11[%get3A_242, %get3A_243] {strides = array<i32>} : memref<512x32xf32, #tpu.memory_space<vmem>>, vector<16xf32>,
      %get3A_245 = arith.index_cast %add3A_233 : i32 to index
      %get3A_246 = arith.constant 16 : index
      %get3A_247 = tpu.vector_load %arg12[%get3A_245, %get3A_246] {strides = array<i32>} : memref<512x32xf32, #tpu.memory_space<vmem>>, vector<16xf32>,
      %mul3A_248 = arith.mulf %get3A_244, %get3A_247 : vector<16xf32>
      %mul3A_249 = arith.mulf %mul3A_248, %get3A_163 : vector<16xf32>
      %add3A_250 = arith.addf %mul3A_241, %mul3A_249 : vector<16xf32>
      %eq3A_251 = arith.constant 2 : i32
      %eq3A_252 = vector.broadcast %eq3A_251 : i32 to vector<16xi32>
      %eq3A_253 = arith.cmpi eq, %iota3A, %eq3A_252 : vector<16xi32>
      %reduce_sum3A_254 = arith.constant true
      %reduce_sum3A_255 = vector.broadcast %reduce_sum3A_254 : i1 to vector<16xi1>
      %reduce_sum3A_256 = tpu.scan <sum>, %add3A_250 masked %reduce_sum3A_255 : vector<16xf32>, vector<16xi1> -> vector<16xf32>
      %reduce_sum3A_257 = vector.extract %reduce_sum3A_256[15] : f32 from vector<16xf32>
      %broadcast_in_dim3A_258 = vector.broadcast %reduce_sum3A_257 : f32 to vector<16xf32>
      %select_n3A_259 = arith.select %eq3A_253, %broadcast_in_dim3A_258, %select_n3A_229 : vector<16xi1>, vector<16xf32>
      %mul3A_260 = arith.constant 16 : i32
      %mul3A_261 = arith.muli %scan3A_171, %mul3A_260 : i32
      %add3A_262 = arith.constant 3 : i32
      %add3A_263 = arith.addi %mul3A_261, %add3A_262 : i32
      %get3A_264 = arith.index_cast %add3A_263 : i32 to index
      %get3A_265 = arith.constant 0 : index
      %get3A_266 = tpu.vector_load %arg11[%get3A_264, %get3A_265] {strides = array<i32>} : memref<512x32xf32, #tpu.memory_space<vmem>>, vector<16xf32>,
      %get3A_267 = arith.index_cast %add3A_263 : i32 to index
      %get3A_268 = arith.constant 0 : index
      %get3A_269 = tpu.vector_load %arg12[%get3A_267, %get3A_268] {strides = array<i32>} : memref<512x32xf32, #tpu.memory_space<vmem>>, vector<16xf32>,
      %mul3A_270 = arith.mulf %get3A_266, %get3A_269 : vector<16xf32>
      %mul3A_271 = arith.mulf %mul3A_270, %get3A_161 : vector<16xf32>
      %get3A_272 = arith.index_cast %add3A_263 : i32 to index
      %get3A_273 = arith.constant 16 : index
      %get3A_274 = tpu.vector_load %arg11[%get3A_272, %get3A_273] {strides = array<i32>} : memref<512x32xf32, #tpu.memory_space<vmem>>, vector<16xf32>,
      %get3A_275 = arith.index_cast %add3A_263 : i32 to index
      %get3A_276 = arith.constant 16 : index
      %get3A_277 = tpu.vector_load %arg12[%get3A_275, %get3A_276] {strides = array<i32>} : memref<512x32xf32, #tpu.memory_space<vmem>>, vector<16xf32>,
      %mul3A_278 = arith.mulf %get3A_274, %get3A_277 : vector<16xf32>
      %mul3A_279 = arith.mulf %mul3A_278, %get3A_163 : vector<16xf32>
      %add3A_280 = arith.addf %mul3A_271, %mul3A_279 : vector<16xf32>
      %eq3A_281 = arith.constant 3 : i32
      %eq3A_282 = vector.broadcast %eq3A_281 : i32 to vector<16xi32>
      %eq3A_283 = arith.cmpi eq, %iota3A, %eq3A_282 : vector<16xi32>
      %reduce_sum3A_284 = arith.constant true
      %reduce_sum3A_285 = vector.broadcast %reduce_sum3A_284 : i1 to vector<16xi1>
      %reduce_sum3A_286 = tpu.scan <sum>, %add3A_280 masked %reduce_sum3A_285 : vector<16xf32>, vector<16xi1> -> vector<16xf32>
      %reduce_sum3A_287 = vector.extract %reduce_sum3A_286[15] : f32 from vector<16xf32>
      %broadcast_in_dim3A_288 = vector.broadcast %reduce_sum3A_287 : f32 to vector<16xf32>
      %select_n3A_289 = arith.select %eq3A_283, %broadcast_in_dim3A_288, %select_n3A_259 : vector<16xi1>, vector<16xf32>
      %mul3A_290 = arith.constant 16 : i32
      %mul3A_291 = arith.muli %scan3A_171, %mul3A_290 : i32
      %add3A_292 = arith.constant 4 : i32
      %add3A_293 = arith.addi %mul3A_291, %add3A_292 : i32
      %get3A_294 = arith.index_cast %add3A_293 : i32 to index
      %get3A_295 = arith.constant 0 : index
      %get3A_296 = tpu.vector_load %arg11[%get3A_294, %get3A_295] {strides = array<i32>} : memref<512x32xf32, #tpu.memory_space<vmem>>, vector<16xf32>,
      %get3A_297 = arith.index_cast %add3A_293 : i32 to index
      %get3A_298 = arith.constant 0 : index
      %get3A_299 = tpu.vector_load %arg12[%get3A_297, %get3A_298] {strides = array<i32>} : memref<512x32xf32, #tpu.memory_space<vmem>>, vector<16xf32>,
      %mul3A_300 = arith.mulf %get3A_296, %get3A_299 : vector<16xf32>
      %mul3A_301 = arith.mulf %mul3A_300, %get3A_161 : vector<16xf32>
      %get3A_302 = arith.index_cast %add3A_293 : i32 to index
      %get3A_303 = arith.constant 16 : index
      %get3A_304 = tpu.vector_load %arg11[%get3A_302, %get3A_303] {strides = array<i32>} : memref<512x32xf32, #tpu.memory_space<vmem>>, vector<16xf32>,
      %get3A_305 = arith.index_cast %add3A_293 : i32 to index
      %get3A_306 = arith.constant 16 : index
      %get3A_307 = tpu.vector_load %arg12[%get3A_305, %get3A_306] {strides = array<i32>} : memref<512x32xf32, #tpu.memory_space<vmem>>, vector<16xf32>,
      %mul3A_308 = arith.mulf %get3A_304, %get3A_307 : vector<16xf32>
      %mul3A_309 = arith.mulf %mul3A_308, %get3A_163 : vector<16xf32>
      %add3A_310 = arith.addf %mul3A_301, %mul3A_309 : vector<16xf32>
      %eq3A_311 = arith.constant 4 : i32
      %eq3A_312 = vector.broadcast %eq3A_311 : i32 to vector<16xi32>
      %eq3A_313 = arith.cmpi eq, %iota3A, %eq3A_312 : vector<16xi32>
      %reduce_sum3A_314 = arith.constant true
      %reduce_sum3A_315 = vector.broadcast %reduce_sum3A_314 : i1 to vector<16xi1>
      %reduce_sum3A_316 = tpu.scan <sum>, %add3A_310 masked %reduce_sum3A_315 : vector<16xf32>, vector<16xi1> -> vector<16xf32>
      %reduce_sum3A_317 = vector.extract %reduce_sum3A_316[15] : f32 from vector<16xf32>
      %broadcast_in_dim3A_318 = vector.broadcast %reduce_sum3A_317 : f32 to vector<16xf32>
      %select_n3A_319 = arith.select %eq3A_313, %broadcast_in_dim3A_318, %select_n3A_289 : vector<16xi1>, vector<16xf32>
      %mul3A_320 = arith.constant 16 : i32
      %mul3A_321 = arith.muli %scan3A_171, %mul3A_320 : i32
      %add3A_322 = arith.constant 5 : i32
      %add3A_323 = arith.addi %mul3A_321, %add3A_322 : i32
      %get3A_324 = arith.index_cast %add3A_323 : i32 to index
      %get3A_325 = arith.constant 0 : index
      %get3A_326 = tpu.vector_load %arg11[%get3A_324, %get3A_325] {strides = array<i32>} : memref<512x32xf32, #tpu.memory_space<vmem>>, vector<16xf32>,
      %get3A_327 = arith.index_cast %add3A_323 : i32 to index
      %get3A_328 = arith.constant 0 : index
      %get3A_329 = tpu.vector_load %arg12[%get3A_327, %get3A_328] {strides = array<i32>} : memref<512x32xf32, #tpu.memory_space<vmem>>, vector<16xf32>,
      %mul3A_330 = arith.mulf %get3A_326, %get3A_329 : vector<16xf32>
      %mul3A_331 = arith.mulf %mul3A_330, %get3A_161 : vector<16xf32>
      %get3A_332 = arith.index_cast %add3A_323 : i32 to index
      %get3A_333 = arith.constant 16 : index
      %get3A_334 = tpu.vector_load %arg11[%get3A_332, %get3A_333] {strides = array<i32>} : memref<512x32xf32, #tpu.memory_space<vmem>>, vector<16xf32>,
      %get3A_335 = arith.index_cast %add3A_323 : i32 to index
      %get3A_336 = arith.constant 16 : index
      %get3A_337 = tpu.vector_load %arg12[%get3A_335, %get3A_336] {strides = array<i32>} : memref<512x32xf32, #tpu.memory_space<vmem>>, vector<16xf32>,
      %mul3A_338 = arith.mulf %get3A_334, %get3A_337 : vector<16xf32>
      %mul3A_339 = arith.mulf %mul3A_338, %get3A_163 : vector<16xf32>
      %add3A_340 = arith.addf %mul3A_331, %mul3A_339 : vector<16xf32>
      %eq3A_341 = arith.constant 5 : i32
      %eq3A_342 = vector.broadcast %eq3A_341 : i32 to vector<16xi32>
      %eq3A_343 = arith.cmpi eq, %iota3A, %eq3A_342 : vector<16xi32>
      %reduce_sum3A_344 = arith.constant true
      %reduce_sum3A_345 = vector.broadcast %reduce_sum3A_344 : i1 to vector<16xi1>
      %reduce_sum3A_346 = tpu.scan <sum>, %add3A_340 masked %reduce_sum3A_345 : vector<16xf32>, vector<16xi1> -> vector<16xf32>
      %reduce_sum3A_347 = vector.extract %reduce_sum3A_346[15] : f32 from vector<16xf32>
      %broadcast_in_dim3A_348 = vector.broadcast %reduce_sum3A_347 : f32 to vector<16xf32>
      %select_n3A_349 = arith.select %eq3A_343, %broadcast_in_dim3A_348, %select_n3A_319 : vector<16xi1>, vector<16xf32>
      %mul3A_350 = arith.constant 16 : i32
      %mul3A_351 = arith.muli %scan3A_171, %mul3A_350 : i32
      %add3A_352 = arith.constant 6 : i32
      %add3A_353 = arith.addi %mul3A_351, %add3A_352 : i32
      %get3A_354 = arith.index_cast %add3A_353 : i32 to index
      %get3A_355 = arith.constant 0 : index
      %get3A_356 = tpu.vector_load %arg11[%get3A_354, %get3A_355] {strides = array<i32>} : memref<512x32xf32, #tpu.memory_space<vmem>>, vector<16xf32>,
      %get3A_357 = arith.index_cast %add3A_353 : i32 to index
      %get3A_358 = arith.constant 0 : index
      %get3A_359 = tpu.vector_load %arg12[%get3A_357, %get3A_358] {strides = array<i32>} : memref<512x32xf32, #tpu.memory_space<vmem>>, vector<16xf32>,
      %mul3A_360 = arith.mulf %get3A_356, %get3A_359 : vector<16xf32>
      %mul3A_361 = arith.mulf %mul3A_360, %get3A_161 : vector<16xf32>
      %get3A_362 = arith.index_cast %add3A_353 : i32 to index
      %get3A_363 = arith.constant 16 : index
      %get3A_364 = tpu.vector_load %arg11[%get3A_362, %get3A_363] {strides = array<i32>} : memref<512x32xf32, #tpu.memory_space<vmem>>, vector<16xf32>,
      %get3A_365 = arith.index_cast %add3A_353 : i32 to index
      %get3A_366 = arith.constant 16 : index
      %get3A_367 = tpu.vector_load %arg12[%get3A_365, %get3A_366] {strides = array<i32>} : memref<512x32xf32, #tpu.memory_space<vmem>>, vector<16xf32>,
      %mul3A_368 = arith.mulf %get3A_364, %get3A_367 : vector<16xf32>
      %mul3A_369 = arith.mulf %mul3A_368, %get3A_163 : vector<16xf32>
      %add3A_370 = arith.addf %mul3A_361, %mul3A_369 : vector<16xf32>
      %eq3A_371 = arith.constant 6 : i32
      %eq3A_372 = vector.broadcast %eq3A_371 : i32 to vector<16xi32>
      %eq3A_373 = arith.cmpi eq, %iota3A, %eq3A_372 : vector<16xi32>
      %reduce_sum3A_374 = arith.constant true
      %reduce_sum3A_375 = vector.broadcast %reduce_sum3A_374 : i1 to vector<16xi1>
      %reduce_sum3A_376 = tpu.scan <sum>, %add3A_370 masked %reduce_sum3A_375 : vector<16xf32>, vector<16xi1> -> vector<16xf32>
      %reduce_sum3A_377 = vector.extract %reduce_sum3A_376[15] : f32 from vector<16xf32>
      %broadcast_in_dim3A_378 = vector.broadcast %reduce_sum3A_377 : f32 to vector<16xf32>
      %select_n3A_379 = arith.select %eq3A_373, %broadcast_in_dim3A_378, %select_n3A_349 : vector<16xi1>, vector<16xf32>
      %mul3A_380 = arith.constant 16 : i32
      %mul3A_381 = arith.muli %scan3A_171, %mul3A_380 : i32
      %add3A_382 = arith.constant 7 : i32
      %add3A_383 = arith.addi %mul3A_381, %add3A_382 : i32
      %get3A_384 = arith.index_cast %add3A_383 : i32 to index
      %get3A_385 = arith.constant 0 : index
      %get3A_386 = tpu.vector_load %arg11[%get3A_384, %get3A_385] {strides = array<i32>} : memref<512x32xf32, #tpu.memory_space<vmem>>, vector<16xf32>,
      %get3A_387 = arith.index_cast %add3A_383 : i32 to index
      %get3A_388 = arith.constant 0 : index
      %get3A_389 = tpu.vector_load %arg12[%get3A_387, %get3A_388] {strides = array<i32>} : memref<512x32xf32, #tpu.memory_space<vmem>>, vector<16xf32>,
      %mul3A_390 = arith.mulf %get3A_386, %get3A_389 : vector<16xf32>
      %mul3A_391 = arith.mulf %mul3A_390, %get3A_161 : vector<16xf32>
      %get3A_392 = arith.index_cast %add3A_383 : i32 to index
      %get3A_393 = arith.constant 16 : index
      %get3A_394 = tpu.vector_load %arg11[%get3A_392, %get3A_393] {strides = array<i32>} : memref<512x32xf32, #tpu.memory_space<vmem>>, vector<16xf32>,
      %get3A_395 = arith.index_cast %add3A_383 : i32 to index
      %get3A_396 = arith.constant 16 : index
      %get3A_397 = tpu.vector_load %arg12[%get3A_395, %get3A_396] {strides = array<i32>} : memref<512x32xf32, #tpu.memory_space<vmem>>, vector<16xf32>,
      %mul3A_398 = arith.mulf %get3A_394, %get3A_397 : vector<16xf32>
      %mul3A_399 = arith.mulf %mul3A_398, %get3A_163 : vector<16xf32>
      %add3A_400 = arith.addf %mul3A_391, %mul3A_399 : vector<16xf32>
      %eq3A_401 = arith.constant 7 : i32
      %eq3A_402 = vector.broadcast %eq3A_401 : i32 to vector<16xi32>
      %eq3A_403 = arith.cmpi eq, %iota3A, %eq3A_402 : vector<16xi32>
      %reduce_sum3A_404 = arith.constant true
      %reduce_sum3A_405 = vector.broadcast %reduce_sum3A_404 : i1 to vector<16xi1>
      %reduce_sum3A_406 = tpu.scan <sum>, %add3A_400 masked %reduce_sum3A_405 : vector<16xf32>, vector<16xi1> -> vector<16xf32>
      %reduce_sum3A_407 = vector.extract %reduce_sum3A_406[15] : f32 from vector<16xf32>
      %broadcast_in_dim3A_408 = vector.broadcast %reduce_sum3A_407 : f32 to vector<16xf32>
      %select_n3A_409 = arith.select %eq3A_403, %broadcast_in_dim3A_408, %select_n3A_379 : vector<16xi1>, vector<16xf32>
      %mul3A_410 = arith.constant 16 : i32
      %mul3A_411 = arith.muli %scan3A_171, %mul3A_410 : i32
      %add3A_412 = arith.constant 8 : i32
      %add3A_413 = arith.addi %mul3A_411, %add3A_412 : i32
      %get3A_414 = arith.index_cast %add3A_413 : i32 to index
      %get3A_415 = arith.constant 0 : index
      %get3A_416 = tpu.vector_load %arg11[%get3A_414, %get3A_415] {strides = array<i32>} : memref<512x32xf32, #tpu.memory_space<vmem>>, vector<16xf32>,
      %get3A_417 = arith.index_cast %add3A_413 : i32 to index
      %get3A_418 = arith.constant 0 : index
      %get3A_419 = tpu.vector_load %arg12[%get3A_417, %get3A_418] {strides = array<i32>} : memref<512x32xf32, #tpu.memory_space<vmem>>, vector<16xf32>,
      %mul3A_420 = arith.mulf %get3A_416, %get3A_419 : vector<16xf32>
      %mul3A_421 = arith.mulf %mul3A_420, %get3A_161 : vector<16xf32>
      %get3A_422 = arith.index_cast %add3A_413 : i32 to index
      %get3A_423 = arith.constant 16 : index
      %get3A_424 = tpu.vector_load %arg11[%get3A_422, %get3A_423] {strides = array<i32>} : memref<512x32xf32, #tpu.memory_space<vmem>>, vector<16xf32>,
      %get3A_425 = arith.index_cast %add3A_413 : i32 to index
      %get3A_426 = arith.constant 16 : index
      %get3A_427 = tpu.vector_load %arg12[%get3A_425, %get3A_426] {strides = array<i32>} : memref<512x32xf32, #tpu.memory_space<vmem>>, vector<16xf32>,
      %mul3A_428 = arith.mulf %get3A_424, %get3A_427 : vector<16xf32>
      %mul3A_429 = arith.mulf %mul3A_428, %get3A_163 : vector<16xf32>
      %add3A_430 = arith.addf %mul3A_421, %mul3A_429 : vector<16xf32>
      %eq3A_431 = arith.constant 8 : i32
      %eq3A_432 = vector.broadcast %eq3A_431 : i32 to vector<16xi32>
      %eq3A_433 = arith.cmpi eq, %iota3A, %eq3A_432 : vector<16xi32>
      %reduce_sum3A_434 = arith.constant true
      %reduce_sum3A_435 = vector.broadcast %reduce_sum3A_434 : i1 to vector<16xi1>
      %reduce_sum3A_436 = tpu.scan <sum>, %add3A_430 masked %reduce_sum3A_435 : vector<16xf32>, vector<16xi1> -> vector<16xf32>
      %reduce_sum3A_437 = vector.extract %reduce_sum3A_436[15] : f32 from vector<16xf32>
      %broadcast_in_dim3A_438 = vector.broadcast %reduce_sum3A_437 : f32 to vector<16xf32>
      %select_n3A_439 = arith.select %eq3A_433, %broadcast_in_dim3A_438, %select_n3A_409 : vector<16xi1>, vector<16xf32>
      %mul3A_440 = arith.constant 16 : i32
      %mul3A_441 = arith.muli %scan3A_171, %mul3A_440 : i32
      %add3A_442 = arith.constant 9 : i32
      %add3A_443 = arith.addi %mul3A_441, %add3A_442 : i32
      %get3A_444 = arith.index_cast %add3A_443 : i32 to index
      %get3A_445 = arith.constant 0 : index
      %get3A_446 = tpu.vector_load %arg11[%get3A_444, %get3A_445] {strides = array<i32>} : memref<512x32xf32, #tpu.memory_space<vmem>>, vector<16xf32>,
      %get3A_447 = arith.index_cast %add3A_443 : i32 to index
      %get3A_448 = arith.constant 0 : index
      %get3A_449 = tpu.vector_load %arg12[%get3A_447, %get3A_448] {strides = array<i32>} : memref<512x32xf32, #tpu.memory_space<vmem>>, vector<16xf32>,
      %mul3A_450 = arith.mulf %get3A_446, %get3A_449 : vector<16xf32>
      %mul3A_451 = arith.mulf %mul3A_450, %get3A_161 : vector<16xf32>
      %get3A_452 = arith.index_cast %add3A_443 : i32 to index
      %get3A_453 = arith.constant 16 : index
      %get3A_454 = tpu.vector_load %arg11[%get3A_452, %get3A_453] {strides = array<i32>} : memref<512x32xf32, #tpu.memory_space<vmem>>, vector<16xf32>,
      %get3A_455 = arith.index_cast %add3A_443 : i32 to index
      %get3A_456 = arith.constant 16 : index
      %get3A_457 = tpu.vector_load %arg12[%get3A_455, %get3A_456] {strides = array<i32>} : memref<512x32xf32, #tpu.memory_space<vmem>>, vector<16xf32>,
      %mul3A_458 = arith.mulf %get3A_454, %get3A_457 : vector<16xf32>
      %mul3A_459 = arith.mulf %mul3A_458, %get3A_163 : vector<16xf32>
      %add3A_460 = arith.addf %mul3A_451, %mul3A_459 : vector<16xf32>
      %eq3A_461 = arith.constant 9 : i32
      %eq3A_462 = vector.broadcast %eq3A_461 : i32 to vector<16xi32>
      %eq3A_463 = arith.cmpi eq, %iota3A, %eq3A_462 : vector<16xi32>
      %reduce_sum3A_464 = arith.constant true
      %reduce_sum3A_465 = vector.broadcast %reduce_sum3A_464 : i1 to vector<16xi1>
      %reduce_sum3A_466 = tpu.scan <sum>, %add3A_460 masked %reduce_sum3A_465 : vector<16xf32>, vector<16xi1> -> vector<16xf32>
      %reduce_sum3A_467 = vector.extract %reduce_sum3A_466[15] : f32 from vector<16xf32>
      %broadcast_in_dim3A_468 = vector.broadcast %reduce_sum3A_467 : f32 to vector<16xf32>
      %select_n3A_469 = arith.select %eq3A_463, %broadcast_in_dim3A_468, %select_n3A_439 : vector<16xi1>, vector<16xf32>
      %mul3A_470 = arith.constant 16 : i32
      %mul3A_471 = arith.muli %scan3A_171, %mul3A_470 : i32
      %add3A_472 = arith.constant 10 : i32
      %add3A_473 = arith.addi %mul3A_471, %add3A_472 : i32
      %get3A_474 = arith.index_cast %add3A_473 : i32 to index
      %get3A_475 = arith.constant 0 : index
      %get3A_476 = tpu.vector_load %arg11[%get3A_474, %get3A_475] {strides = array<i32>} : memref<512x32xf32, #tpu.memory_space<vmem>>, vector<16xf32>,
      %get3A_477 = arith.index_cast %add3A_473 : i32 to index
      %get3A_478 = arith.constant 0 : index
      %get3A_479 = tpu.vector_load %arg12[%get3A_477, %get3A_478] {strides = array<i32>} : memref<512x32xf32, #tpu.memory_space<vmem>>, vector<16xf32>,
      %mul3A_480 = arith.mulf %get3A_476, %get3A_479 : vector<16xf32>
      %mul3A_481 = arith.mulf %mul3A_480, %get3A_161 : vector<16xf32>
      %get3A_482 = arith.index_cast %add3A_473 : i32 to index
      %get3A_483 = arith.constant 16 : index
      %get3A_484 = tpu.vector_load %arg11[%get3A_482, %get3A_483] {strides = array<i32>} : memref<512x32xf32, #tpu.memory_space<vmem>>, vector<16xf32>,
      %get3A_485 = arith.index_cast %add3A_473 : i32 to index
      %get3A_486 = arith.constant 16 : index
      %get3A_487 = tpu.vector_load %arg12[%get3A_485, %get3A_486] {strides = array<i32>} : memref<512x32xf32, #tpu.memory_space<vmem>>, vector<16xf32>,
      %mul3A_488 = arith.mulf %get3A_484, %get3A_487 : vector<16xf32>
      %mul3A_489 = arith.mulf %mul3A_488, %get3A_163 : vector<16xf32>
      %add3A_490 = arith.addf %mul3A_481, %mul3A_489 : vector<16xf32>
      %eq3A_491 = arith.constant 10 : i32
      %eq3A_492 = vector.broadcast %eq3A_491 : i32 to vector<16xi32>
      %eq3A_493 = arith.cmpi eq, %iota3A, %eq3A_492 : vector<16xi32>
      %reduce_sum3A_494 = arith.constant true
      %reduce_sum3A_495 = vector.broadcast %reduce_sum3A_494 : i1 to vector<16xi1>
      %reduce_sum3A_496 = tpu.scan <sum>, %add3A_490 masked %reduce_sum3A_495 : vector<16xf32>, vector<16xi1> -> vector<16xf32>
      %reduce_sum3A_497 = vector.extract %reduce_sum3A_496[15] : f32 from vector<16xf32>
      %broadcast_in_dim3A_498 = vector.broadcast %reduce_sum3A_497 : f32 to vector<16xf32>
      %select_n3A_499 = arith.select %eq3A_493, %broadcast_in_dim3A_498, %select_n3A_469 : vector<16xi1>, vector<16xf32>
      %mul3A_500 = arith.constant 16 : i32
      %mul3A_501 = arith.muli %scan3A_171, %mul3A_500 : i32
      %add3A_502 = arith.constant 11 : i32
      %add3A_503 = arith.addi %mul3A_501, %add3A_502 : i32
      %get3A_504 = arith.index_cast %add3A_503 : i32 to index
      %get3A_505 = arith.constant 0 : index
      %get3A_506 = tpu.vector_load %arg11[%get3A_504, %get3A_505] {strides = array<i32>} : memref<512x32xf32, #tpu.memory_space<vmem>>, vector<16xf32>,
      %get3A_507 = arith.index_cast %add3A_503 : i32 to index
      %get3A_508 = arith.constant 0 : index
      %get3A_509 = tpu.vector_load %arg12[%get3A_507, %get3A_508] {strides = array<i32>} : memref<512x32xf32, #tpu.memory_space<vmem>>, vector<16xf32>,
      %mul3A_510 = arith.mulf %get3A_506, %get3A_509 : vector<16xf32>
      %mul3A_511 = arith.mulf %mul3A_510, %get3A_161 : vector<16xf32>
      %get3A_512 = arith.index_cast %add3A_503 : i32 to index
      %get3A_513 = arith.constant 16 : index
      %get3A_514 = tpu.vector_load %arg11[%get3A_512, %get3A_513] {strides = array<i32>} : memref<512x32xf32, #tpu.memory_space<vmem>>, vector<16xf32>,
      %get3A_515 = arith.index_cast %add3A_503 : i32 to index
      %get3A_516 = arith.constant 16 : index
      %get3A_517 = tpu.vector_load %arg12[%get3A_515, %get3A_516] {strides = array<i32>} : memref<512x32xf32, #tpu.memory_space<vmem>>, vector<16xf32>,
      %mul3A_518 = arith.mulf %get3A_514, %get3A_517 : vector<16xf32>
      %mul3A_519 = arith.mulf %mul3A_518, %get3A_163 : vector<16xf32>
      %add3A_520 = arith.addf %mul3A_511, %mul3A_519 : vector<16xf32>
      %eq3A_521 = arith.constant 11 : i32
      %eq3A_522 = vector.broadcast %eq3A_521 : i32 to vector<16xi32>
      %eq3A_523 = arith.cmpi eq, %iota3A, %eq3A_522 : vector<16xi32>
      %reduce_sum3A_524 = arith.constant true
      %reduce_sum3A_525 = vector.broadcast %reduce_sum3A_524 : i1 to vector<16xi1>
      %reduce_sum3A_526 = tpu.scan <sum>, %add3A_520 masked %reduce_sum3A_525 : vector<16xf32>, vector<16xi1> -> vector<16xf32>
      %reduce_sum3A_527 = vector.extract %reduce_sum3A_526[15] : f32 from vector<16xf32>
      %broadcast_in_dim3A_528 = vector.broadcast %reduce_sum3A_527 : f32 to vector<16xf32>
      %select_n3A_529 = arith.select %eq3A_523, %broadcast_in_dim3A_528, %select_n3A_499 : vector<16xi1>, vector<16xf32>
      %mul3A_530 = arith.constant 16 : i32
      %mul3A_531 = arith.muli %scan3A_171, %mul3A_530 : i32
      %add3A_532 = arith.constant 12 : i32
      %add3A_533 = arith.addi %mul3A_531, %add3A_532 : i32
      %get3A_534 = arith.index_cast %add3A_533 : i32 to index
      %get3A_535 = arith.constant 0 : index
      %get3A_536 = tpu.vector_load %arg11[%get3A_534, %get3A_535] {strides = array<i32>} : memref<512x32xf32, #tpu.memory_space<vmem>>, vector<16xf32>,
      %get3A_537 = arith.index_cast %add3A_533 : i32 to index
      %get3A_538 = arith.constant 0 : index
      %get3A_539 = tpu.vector_load %arg12[%get3A_537, %get3A_538] {strides = array<i32>} : memref<512x32xf32, #tpu.memory_space<vmem>>, vector<16xf32>,
      %mul3A_540 = arith.mulf %get3A_536, %get3A_539 : vector<16xf32>
      %mul3A_541 = arith.mulf %mul3A_540, %get3A_161 : vector<16xf32>
      %get3A_542 = arith.index_cast %add3A_533 : i32 to index
      %get3A_543 = arith.constant 16 : index
      %get3A_544 = tpu.vector_load %arg11[%get3A_542, %get3A_543] {strides = array<i32>} : memref<512x32xf32, #tpu.memory_space<vmem>>, vector<16xf32>,
      %get3A_545 = arith.index_cast %add3A_533 : i32 to index
      %get3A_546 = arith.constant 16 : index
      %get3A_547 = tpu.vector_load %arg12[%get3A_545, %get3A_546] {strides = array<i32>} : memref<512x32xf32, #tpu.memory_space<vmem>>, vector<16xf32>,
      %mul3A_548 = arith.mulf %get3A_544, %get3A_547 : vector<16xf32>
      %mul3A_549 = arith.mulf %mul3A_548, %get3A_163 : vector<16xf32>
      %add3A_550 = arith.addf %mul3A_541, %mul3A_549 : vector<16xf32>
      %eq3A_551 = arith.constant 12 : i32
      %eq3A_552 = vector.broadcast %eq3A_551 : i32 to vector<16xi32>
      %eq3A_553 = arith.cmpi eq, %iota3A, %eq3A_552 : vector<16xi32>
      %reduce_sum3A_554 = arith.constant true
      %reduce_sum3A_555 = vector.broadcast %reduce_sum3A_554 : i1 to vector<16xi1>
      %reduce_sum3A_556 = tpu.scan <sum>, %add3A_550 masked %reduce_sum3A_555 : vector<16xf32>, vector<16xi1> -> vector<16xf32>
      %reduce_sum3A_557 = vector.extract %reduce_sum3A_556[15] : f32 from vector<16xf32>
      %broadcast_in_dim3A_558 = vector.broadcast %reduce_sum3A_557 : f32 to vector<16xf32>
      %select_n3A_559 = arith.select %eq3A_553, %broadcast_in_dim3A_558, %select_n3A_529 : vector<16xi1>, vector<16xf32>
      %mul3A_560 = arith.constant 16 : i32
      %mul3A_561 = arith.muli %scan3A_171, %mul3A_560 : i32
      %add3A_562 = arith.constant 13 : i32
      %add3A_563 = arith.addi %mul3A_561, %add3A_562 : i32
      %get3A_564 = arith.index_cast %add3A_563 : i32 to index
      %get3A_565 = arith.constant 0 : index
      %get3A_566 = tpu.vector_load %arg11[%get3A_564, %get3A_565] {strides = array<i32>} : memref<512x32xf32, #tpu.memory_space<vmem>>, vector<16xf32>,
      %get3A_567 = arith.index_cast %add3A_563 : i32 to index
      %get3A_568 = arith.constant 0 : index
      %get3A_569 = tpu.vector_load %arg12[%get3A_567, %get3A_568] {strides = array<i32>} : memref<512x32xf32, #tpu.memory_space<vmem>>, vector<16xf32>,
      %mul3A_570 = arith.mulf %get3A_566, %get3A_569 : vector<16xf32>
      %mul3A_571 = arith.mulf %mul3A_570, %get3A_161 : vector<16xf32>
      %get3A_572 = arith.index_cast %add3A_563 : i32 to index
      %get3A_573 = arith.constant 16 : index
      %get3A_574 = tpu.vector_load %arg11[%get3A_572, %get3A_573] {strides = array<i32>} : memref<512x32xf32, #tpu.memory_space<vmem>>, vector<16xf32>,
      %get3A_575 = arith.index_cast %add3A_563 : i32 to index
      %get3A_576 = arith.constant 16 : index
      %get3A_577 = tpu.vector_load %arg12[%get3A_575, %get3A_576] {strides = array<i32>} : memref<512x32xf32, #tpu.memory_space<vmem>>, vector<16xf32>,
      %mul3A_578 = arith.mulf %get3A_574, %get3A_577 : vector<16xf32>
      %mul3A_579 = arith.mulf %mul3A_578, %get3A_163 : vector<16xf32>
      %add3A_580 = arith.addf %mul3A_571, %mul3A_579 : vector<16xf32>
      %eq3A_581 = arith.constant 13 : i32
      %eq3A_582 = vector.broadcast %eq3A_581 : i32 to vector<16xi32>
      %eq3A_583 = arith.cmpi eq, %iota3A, %eq3A_582 : vector<16xi32>
      %reduce_sum3A_584 = arith.constant true
      %reduce_sum3A_585 = vector.broadcast %reduce_sum3A_584 : i1 to vector<16xi1>
      %reduce_sum3A_586 = tpu.scan <sum>, %add3A_580 masked %reduce_sum3A_585 : vector<16xf32>, vector<16xi1> -> vector<16xf32>
      %reduce_sum3A_587 = vector.extract %reduce_sum3A_586[15] : f32 from vector<16xf32>
      %broadcast_in_dim3A_588 = vector.broadcast %reduce_sum3A_587 : f32 to vector<16xf32>
      %select_n3A_589 = arith.select %eq3A_583, %broadcast_in_dim3A_588, %select_n3A_559 : vector<16xi1>, vector<16xf32>
      %mul3A_590 = arith.constant 16 : i32
      %mul3A_591 = arith.muli %scan3A_171, %mul3A_590 : i32
      %add3A_592 = arith.constant 14 : i32
      %add3A_593 = arith.addi %mul3A_591, %add3A_592 : i32
      %get3A_594 = arith.index_cast %add3A_593 : i32 to index
      %get3A_595 = arith.constant 0 : index
      %get3A_596 = tpu.vector_load %arg11[%get3A_594, %get3A_595] {strides = array<i32>} : memref<512x32xf32, #tpu.memory_space<vmem>>, vector<16xf32>,
      %get3A_597 = arith.index_cast %add3A_593 : i32 to index
      %get3A_598 = arith.constant 0 : index
      %get3A_599 = tpu.vector_load %arg12[%get3A_597, %get3A_598] {strides = array<i32>} : memref<512x32xf32, #tpu.memory_space<vmem>>, vector<16xf32>,
      %mul3A_600 = arith.mulf %get3A_596, %get3A_599 : vector<16xf32>
      %mul3A_601 = arith.mulf %mul3A_600, %get3A_161 : vector<16xf32>
      %get3A_602 = arith.index_cast %add3A_593 : i32 to index
      %get3A_603 = arith.constant 16 : index
      %get3A_604 = tpu.vector_load %arg11[%get3A_602, %get3A_603] {strides = array<i32>} : memref<512x32xf32, #tpu.memory_space<vmem>>, vector<16xf32>,
      %get3A_605 = arith.index_cast %add3A_593 : i32 to index
      %get3A_606 = arith.constant 16 : index
      %get3A_607 = tpu.vector_load %arg12[%get3A_605, %get3A_606] {strides = array<i32>} : memref<512x32xf32, #tpu.memory_space<vmem>>, vector<16xf32>,
      %mul3A_608 = arith.mulf %get3A_604, %get3A_607 : vector<16xf32>
      %mul3A_609 = arith.mulf %mul3A_608, %get3A_163 : vector<16xf32>
      %add3A_610 = arith.addf %mul3A_601, %mul3A_609 : vector<16xf32>
      %eq3A_611 = arith.constant 14 : i32
      %eq3A_612 = vector.broadcast %eq3A_611 : i32 to vector<16xi32>
      %eq3A_613 = arith.cmpi eq, %iota3A, %eq3A_612 : vector<16xi32>
      %reduce_sum3A_614 = arith.constant true
      %reduce_sum3A_615 = vector.broadcast %reduce_sum3A_614 : i1 to vector<16xi1>
      %reduce_sum3A_616 = tpu.scan <sum>, %add3A_610 masked %reduce_sum3A_615 : vector<16xf32>, vector<16xi1> -> vector<16xf32>
      %reduce_sum3A_617 = vector.extract %reduce_sum3A_616[15] : f32 from vector<16xf32>
      %broadcast_in_dim3A_618 = vector.broadcast %reduce_sum3A_617 : f32 to vector<16xf32>
      %select_n3A_619 = arith.select %eq3A_613, %broadcast_in_dim3A_618, %select_n3A_589 : vector<16xi1>, vector<16xf32>
      %mul3A_620 = arith.constant 16 : i32
      %mul3A_621 = arith.muli %scan3A_171, %mul3A_620 : i32
      %add3A_622 = arith.constant 15 : i32
      %add3A_623 = arith.addi %mul3A_621, %add3A_622 : i32
      %get3A_624 = arith.index_cast %add3A_623 : i32 to index
      %get3A_625 = arith.constant 0 : index
      %get3A_626 = tpu.vector_load %arg11[%get3A_624, %get3A_625] {strides = array<i32>} : memref<512x32xf32, #tpu.memory_space<vmem>>, vector<16xf32>,
      %get3A_627 = arith.index_cast %add3A_623 : i32 to index
      %get3A_628 = arith.constant 0 : index
      %get3A_629 = tpu.vector_load %arg12[%get3A_627, %get3A_628] {strides = array<i32>} : memref<512x32xf32, #tpu.memory_space<vmem>>, vector<16xf32>,
      %mul3A_630 = arith.mulf %get3A_626, %get3A_629 : vector<16xf32>
      %mul3A_631 = arith.mulf %mul3A_630, %get3A_161 : vector<16xf32>
      %get3A_632 = arith.index_cast %add3A_623 : i32 to index
      %get3A_633 = arith.constant 16 : index
      %get3A_634 = tpu.vector_load %arg11[%get3A_632, %get3A_633] {strides = array<i32>} : memref<512x32xf32, #tpu.memory_space<vmem>>, vector<16xf32>,
      %get3A_635 = arith.index_cast %add3A_623 : i32 to index
      %get3A_636 = arith.constant 16 : index
      %get3A_637 = tpu.vector_load %arg12[%get3A_635, %get3A_636] {strides = array<i32>} : memref<512x32xf32, #tpu.memory_space<vmem>>, vector<16xf32>,
      %mul3A_638 = arith.mulf %get3A_634, %get3A_637 : vector<16xf32>
      %mul3A_639 = arith.mulf %mul3A_638, %get3A_163 : vector<16xf32>
      %add3A_640 = arith.addf %mul3A_631, %mul3A_639 : vector<16xf32>
      %eq3A_641 = arith.constant 15 : i32
      %eq3A_642 = vector.broadcast %eq3A_641 : i32 to vector<16xi32>
      %eq3A_643 = arith.cmpi eq, %iota3A, %eq3A_642 : vector<16xi32>
      %reduce_sum3A_644 = arith.constant true
      %reduce_sum3A_645 = vector.broadcast %reduce_sum3A_644 : i1 to vector<16xi1>
      %reduce_sum3A_646 = tpu.scan <sum>, %add3A_640 masked %reduce_sum3A_645 : vector<16xf32>, vector<16xi1> -> vector<16xf32>
      %reduce_sum3A_647 = vector.extract %reduce_sum3A_646[15] : f32 from vector<16xf32>
      %broadcast_in_dim3A_648 = vector.broadcast %reduce_sum3A_647 : f32 to vector<16xf32>
      %select_n3A_649 = arith.select %eq3A_643, %broadcast_in_dim3A_648, %select_n3A_619 : vector<16xi1>, vector<16xf32>
      %add3A_650 = arith.addf %select_n3A_649, %get3A_165 : vector<16xf32>
      %neg3A = arith.constant 0.000000e+00 : f32
      %neg3A_651 = vector.broadcast %neg3A : f32 to vector<16xf32>
      %neg3A_652 = arith.subf %neg3A_651, %add3A_650 : vector<16xf32>
      %exp3A = math.exp %neg3A_652 : vector<16xf32>
      %add3A_653 = arith.constant 1.000000e+00 : f32
      %add3A_654 = vector.broadcast %add3A_653 : f32 to vector<16xf32>
      %add3A_655 = arith.addf %add3A_654, %exp3A : vector<16xf32>
      %div3A = arith.constant 1.000000e+00 : f32
      %div3A_656 = vector.broadcast %div3A : f32 to vector<16xf32>
      %div3A_657 = arith.divf %div3A_656, %add3A_655 : vector<16xf32>
      %mul3A_658 = arith.constant 16 : i32
      %mul3A_659 = arith.muli %scan3A_171, %mul3A_658 : i32
      %swap3A = arith.index_cast %mul3A_659 : i32 to index
      %swap3A_660 = tpu.vector_load %arg13[%swap3A] {strides = array<i32>} : memref<512xf32, #tpu.memory_space<vmem>>, vector<16xf32>,
      tpu.vector_store %arg13[%swap3A], %div3A_657 {strides = array<i32>} : memref<512xf32, #tpu.memory_space<vmem>>, vector<16xf32>,
    }
    %scan3A_170 = arith.constant 32 : i32
    "tpu.region"() ({
      %run_scoped3A = tpu.sem_alloc : memref<!tpu.dma_semaphore, #tpu.memory_space<semaphore_mem>>
      %dma_start3A_171 = tpu.memref_slice %arg8[%mul3A_2] : memref<16384xf32, #tpu.memory_space<hbm>> -> memref<512xf32, #tpu.memory_space<hbm>>
      %dma_start3A_172 = tpu.memref_slice %arg8[%mul3A_2] : memref<16384xf32, #tpu.memory_space<hbm>> -> memref<512xf32, #tpu.memory_space<hbm>>
      tpu.enqueue_dma source(%arg13 : memref<512xf32, #tpu.memory_space<vmem>>) target(%dma_start3A_172 : memref<512xf32, #tpu.memory_space<hbm>>) target_semaphore(%run_scoped3A : memref<!tpu.dma_semaphore, #tpu.memory_space<semaphore_mem>>)
      %dma_wait3A_173 = tpu.memref_slice %arg8[%mul3A_2] : memref<16384xf32, #tpu.memory_space<hbm>> -> memref<512xf32, #tpu.memory_space<hbm>>
      %dma_wait3A_174 = tpu.memref_slice %arg8[%mul3A_2] : memref<16384xf32, #tpu.memory_space<hbm>> -> memref<512xf32, #tpu.memory_space<hbm>>
      tpu.wait_dma2 semaphore(%run_scoped3A : memref<!tpu.dma_semaphore, #tpu.memory_space<semaphore_mem>>) src(%arg13 : memref<512xf32, #tpu.memory_space<vmem>>) dst(%dma_wait3A_174 : memref<512xf32, #tpu.memory_space<hbm>>)
      tpu.yield
    }) : () -> ()
    return
  }
}

</mosaic_0001>

<sc_bundles>
// kernel: _gmf.3.cloned.1.call-start
scs
__scs_entry_jumppad:
0x0: {  	(pc) =	sbr.rel $0x88, $3  }
0x1: {  	(tag) =	ssettag $0x0;
	lr =	simm.s32 $0x1  }
0x2: {  	[smem:$0x3F9B] =	sst lr;
	_ =	strace $0xD0000000  }
0x3: {  	_ = 	snop  }
0x4: {  	_ = 	snop  }
0x5: {  	_ = 	snop  }
0x6: {  	_ = 	snop  }
0x7: {  	_ = 	snop  }
__scs_overlays_trampoline_lowered:
0x8: {  	[smem:$0x3FAA] =	sst s0  }
0x9: {  	[smem:$0x3FAB] =	sst s1  }
0xa: {  	[smem:$0x3FAC] =	sst s2  }
0xb: {  	[smem:$0x3FAD] =	sst s3  }
0xc: {  	[smem:$0x3FAE] =	sst s4  }
0xd: {  	[smem:$0x3FAF] =	sst s5  }
0xe: {  	[smem:$0x3FB0] =	sst s6  }
0xf: {  	[smem:$0x3FB1] =	sst s7  }
0x10: {  	[smem:$0x3FB2] =	sst s8  }
0x11: {  	[smem:$0x3FB3] =	sst s9;
	s0 =	simm.s32 @!p0 $0x0  }
0x12: {  	s1 =	sld [smem:$0x3F99];
	s0 =	simm.s32 @p0 $0x1  }
0x13: {  	[smem:$0x3FB4] =	sst s0;
	s0 =	simm.s32 @!p1 $0x0  }
0x14: {  	s2 =	sld [smem:$0x3F98];
	s0 =	simm.s32 @p1 $0x1  }
0x15: {  	[smem:$0x3FB5] =	sst s0;
	s0 =	simm.s32 @!p2 $0x0  }
0x16: {  	s3 =	sld [smem:$0x3FDB];
	s0 =	simm.s32 @p2 $0x1  }
0x17: {  	s4 =	simm.s32 $0x1BF5;
	[smem:$0x3FB7] =	sst s0  }
0x18: {  	s0 =	sld [smem:$0x3F9A];
	_ =	swait.ge [sflag:s4], $0x0  }
0x19: {  	s7 =	sld [smem:$0x3F9B]  }
0x1a: {  	s8 =	sadd.s32 $0xFFFFE003, lr  }
0x1b: {  	s9 =	sadd.s32 $0xFFFFFEF7, lr;
	s5 =	simm.s32 $0xFFFFFFFF;
	p2 =	slt.u32 s8, $0xFFFFF086  }
0x1c: {  	p1 =	slt.u32 s9, $0xF7A;
	s5 =	simm.s32 @!p2 $0x0  }
0x1d: {  	s5 =	simm.s32 @p1 $0x1;
	p0 =	seq.s32 s7, s2  }
0x1e: {  	s7 =	smul.u32 @!p0 $0xF7A, s2;
	p2 =	seq.s32 @!p0 s5, $0x0  }
0x1f: {  	s9 =	smul.u32 $0xF7A, s1;
	s8 =	simm.s32 @!p0 $0x1BF5;
	p2 =	por !p2, p0  }
0x20: {  	[sflag:s8] =	ssyncset.s32 @!p0 $0xFFFFF086;
	s6 =	sadd.s32 @!p0 s3, s7;
	s7 =	simm.s32 @!p0 $0x108  }
0x21: {  	s3 =	sadd.s32 s3, s9;
	s6 =	sadd.s32 @!p0 $0x88, s6;
	s7 =	simm.s32 @p2 $0x1082  }
0x22: {  	[simem:s7], [sflag:s8] =	dma.local @!p0 [hbm:s6], $0xF7A  }
0x23: {  	s9 =	sor.u32 $0xD0000000, s2;
	s6 =	simm.s32 $0x108;
	_ =	swait.ge @!p0 [sflag:s8], $0x0  }
0x24: {  	s3 =	sadd.s32 $0x88, s3;
	s6 =	simm.s32 @!p1 $0x1082;
	[sflag:s4] =	ssyncset.s32 $0xFFFFF086  }
0x25: {  	[simem:s6], [sflag:s4] =	dma.local [hbm:s3], $0xF7A  }
0x26: {  	[smem:$0x3F9B] =	sst s1;
	(tag) =	ssettag s2;
	_ =	strace s9  }
0x27: {  	s1 =	sld [smem:$0x3FAB]  }
0x28: {  	s2 =	sld [smem:$0x3FAC]  }
0x29: {  	s4 =	sld [smem:$0x3FAE]  }
0x2a: {  	p0 =	seq.s32 s5, $0x0;
	s5 =	sld [smem:$0x3FAF]  }
0x2b: {  	s6 =	sld [smem:$0x3FB0]  }
0x2c: {  	s7 =	sld [smem:$0x3FB1]  }
0x2d: {  	s3 =	simm.s32 $0x108;
	s8 =	sld [smem:$0x3FB2]  }
0x2e: {  	s3 =	simm.s32 @!p0 $0x1082;
	s9 =	sld [smem:$0x3FB3]  }
0x2f: {  	lr =	sadd.s32 s0, s3;
	s0 =	sld [smem:$0x3FAA]  }
0x30: {  	s3 =	sld [smem:$0x3FAD]  }
0x31: {  	[smem:$0x3FB6] =	sst s10  }
0x32: {  	s10 =	sld [smem:$0x3FB4];
	_ =	sdelay $0x3  }
0x33: {  	p0 =	seq.s32 s10, $0x1;
	s10 =	sld [smem:$0x3FB6];
	_ =	sdelay $0x3  }
0x34: {  	[smem:$0x3FB6] =	sst s10  }
0x35: {  	s10 =	sld [smem:$0x3FB5];
	_ =	sdelay $0x3  }
0x36: {  	p1 =	seq.s32 s10, $0x1;
	s10 =	sld [smem:$0x3FB6];
	_ =	sdelay $0x3  }
0x37: {  	[smem:$0x3FB6] =	sst s10  }
0x38: {  	s10 =	sld [smem:$0x3FB7]  }
0x39: {  	_ = 	snop;
	(pc) =	sbr.ind lr, $3  }
0x3a: {  	_ = 	snop  }
0x3b: {  	_ = 	snop  }
0x3c: {  	p2 =	seq.s32 s10, $0x1;
	s10 =	sld [smem:$0x3FB6]  }
0x3d: {  	_ =	shalt  }
0x3e: {  	_ =	shalt  }
0x3f: {  	_ =	shalt  }
0x40: {  	_ =	shalt  }
0x41: {  	_ =	shalt  }
0x42: {  	_ =	shalt  }
0x43: {  	_ =	shalt  }
0x44: {  	_ =	shalt  }
0x45: {  	_ =	shalt  }
0x46: {  	_ =	shalt  }
0x47: {  	_ =	shalt  }
0x48: {  	_ =	shalt  }
0x49: {  	_ =	shalt  }
0x4a: {  	_ =	shalt  }
0x4b: {  	_ =	shalt  }
0x4c: {  	_ =	shalt  }
0x4d: {  	_ =	shalt  }
0x4e: {  	_ =	shalt  }
0x4f: {  	_ =	shalt  }
0x50: {  	_ =	shalt  }
0x51: {  	_ =	shalt  }
0x52: {  	_ =	shalt  }
0x53: {  	_ =	shalt  }
0x54: {  	_ =	shalt  }
0x55: {  	_ =	shalt  }
0x56: {  	_ =	shalt  }
0x57: {  	_ =	shalt  }
0x58: {  	_ =	shalt  }
0x59: {  	_ =	shalt  }
0x5a: {  	_ =	shalt  }
0x5b: {  	_ =	shalt  }
0x5c: {  	_ =	shalt  }
0x5d: {  	_ =	shalt  }
0x5e: {  	_ =	shalt  }
0x5f: {  	_ =	shalt  }
0x60: {  	_ =	shalt  }
0x61: {  	_ =	shalt  }
0x62: {  	_ =	shalt  }
0x63: {  	_ =	shalt  }
0x64: {  	_ =	shalt  }
0x65: {  	_ =	shalt  }
0x66: {  	_ =	shalt  }
0x67: {  	_ =	shalt  }
0x68: {  	_ =	shalt  }
0x69: {  	_ =	shalt  }
0x6a: {  	_ =	shalt  }
0x6b: {  	_ =	shalt  }
0x6c: {  	_ =	shalt  }
0x6d: {  	_ =	shalt  }
0x6e: {  	_ =	shalt  }
0x6f: {  	_ =	shalt  }
0x70: {  	_ =	shalt  }
0x71: {  	_ =	shalt  }
0x72: {  	_ =	shalt  }
0x73: {  	_ =	shalt  }
0x74: {  	_ =	shalt  }
0x75: {  	_ =	shalt  }
0x76: {  	_ =	shalt  }
0x77: {  	_ =	shalt  }
0x78: {  	_ =	shalt  }
0x79: {  	_ =	shalt  }
0x7a: {  	_ =	shalt  }
0x7b: {  	_ =	shalt  }
0x7c: {  	_ =	shalt  }
0x7d: {  	_ =	shalt  }
0x7e: {  	_ =	shalt  }
0x7f: {  	_ =	shalt  }
0x80: {  	_ =	shalt  }
0x81: {  	_ =	shalt  }
0x82: {  	_ =	shalt  }
0x83: {  	_ =	shalt  }
0x84: {  	_ =	shalt  }
0x85: {  	_ =	shalt  }
0x86: {  	_ =	shalt  }
0x87: {  	_ =	shalt  }
.Lfunc_end0:
.L_simem_size_0:
called_computation_lowered:
.L_overlay_start_0:
0x88: {  	s2 =	sld [smem:$0x3FD9]  }
0x89: {  	s3 =	sld [smem:$0x3FFE];
	_ =	sdelay $0x1  }
0x8a: {  	s1 =	srdreg.scid  }
0x8b: {  	s0 =	sand.u32 $0x1, s1  }
0x8c: {  	s17 =	sshll.u32 s0, $0xA;
	s2 =	sadd.s32 s3, s2  }
0x8d: {  	s2 =	sadd.s32 s2, s17  }
0x8e: {  	[smem:$0x3FC2] =	sst s2  }
0x8f: {  	_ = 	snop  }
0x90: {  	s2 =	sld [smem:$0x3FC9]  }
0x91: {  	s18 =	sld [smem:$0x3FC8]  }
0x92: {  	s4 =	sld [smem:$0x3FC5]  }
0x93: {  	s5 =	sld [smem:$0x3FC4]  }
0x94: {  	s6 =	sld [smem:$0x3FD0];
	(tm) =	ssettm $0x1  }
0x95: {  	s7 =	sld [smem:$0x3FFB];
	_ =	sdelay $0x3  }
0x96: {  	_ =	strace s7  }
0x97: {  	s7 =	sld [smem:$0x3FFC];
	_ =	sdelay $0x3  }
0x98: {  	_ =	strace s7  }
0x99: {  	s7 =	sld [smem:$0x3FFD];
	_ =	sdelay $0x3  }
0x9a: {  	_ =	strace s7  }
0x9b: {  	_ =	strace $0x8FFFFFFF  }
0x9c: {  	s19 =	sld [smem:$0x3FDB];
	_ =	sdelay $0x1  }
0x9d: {  	s8 =	simm.s32 $_scs_section_size  }
0x9e: {  	s9 =	simm.s32 $_size__tile_overlayer_lowered;
	s10 =	simm.s32 $_tile_overlayer_lowered  }
0x9f: {  	s22 =	simm.s32 $0x1BFF;
	s21 =	sshll.u32 s10, $0x1;
	s7 =	sadd.s32 s8, s19  }
0xa0: {  	s11 =	simm.s32 $0x0;
	s20 =	sshll.u32 s9, $0x1;
	s9 =	sadd.s32 s21, s7  }
0xa1: {  	[timem:s11], [sflag:s22] =	dma.local [hbm:s9], s20  }
0xa2: {  	_ =	swait.ge [sflag:s22], s20  }
0xa3: {  	s8 =	ssub.s32 $0x0, s20;
	[sflag:s22] =	ssyncset.done $0x0  }
0xa4: {  	[sflag:s22] =	ssyncadd.s32 s8;
	_ =	sdelay $0x1  }
0xa5: {  	s23 =	simm.s32 $0x1B8B  }
0xa6: {  	_ =	swait.ge [sflag:s23], $0x1  }
0xa7: {  	[sflag:s23] =	ssyncset.done $0x0  }
0xa8: {  	s25 =	simm.s32 $0x1B8E;
	s24 =	sld [smem:$0x3FFE];
	[sflag:s23] =	ssyncadd.s32 $0xFFFFFFFF  }
0xa9: {  	s26 =	simm.s32 $execute0_lowered;
	[smem:$0x3FD2] =	sst s25  }
0xaa: {  	s9 =	sshll.u32 s26, $0x1;
	_ =	strace $0x80000046;
	[dreg:$0x1] =	wrdreg $0xFFFFFFFF  }
0xab: {  	s28 =	simm.s32 $_size_execute0_lowered;
	s7 =	sadd.s32 s7, s9;
	[dreg:$0x0] =	wrdreg $0x0  }
0xac: {  	s9 =	sshll.u32 s28, $0x1;
	[dreg:$0x2] =	wrdreg s7  }
0xad: {  	[dreg:$0x3] =	wrdreg s9  }
0xae: {  	[dreg:$0x4] =	wrdreg $0xC0  }
0xaf: {  	_ =	task [dreg:s11], $0x5FFFF  }
0xb0: {  	[dreg:$0x1] =	wrdreg $0xFFFFFFFF  }
0xb1: {  	[dreg:$0x0] =	wrdreg $0x60  }
0xb2: {  	[dreg:$0x2] =	wrdreg s2  }
0xb3: {  	[dreg:$0x3] =	wrdreg s18  }
0xb4: {  	[dreg:$0x4] =	wrdreg s24  }
0xb5: {  	[dreg:$0x5] =	wrdreg s4  }
0xb6: {  	[dreg:$0x6] =	wrdreg s5  }
0xb7: {  	[dreg:$0x7] =	wrdreg s6  }
0xb8: {  	[dreg:$0x8] =	wrdreg $0x9  }
0xb9: {  	_ =	task.clear_ibuf [dreg:s11], $0x9FFFF;
	_ =	strace $0x90000046  }
0xba: {  	s29 =	simm.s32 $0x9;
	_ =	strace $0x80000048  }
0xbb: {  	_ =	swait.ge [sflag:s29], $0x1  }
0xbc: {  	[sflag:s29] =	ssyncadd.s32 $0xFFFFFFFF  }
0xbd: {  	_ =	strace $0x90000048  }
0xbe: {  	_ =	sfence  }
0xbf: {  	s30 =	sld [smem:$0x0];
	_ =	sdelay $0x2  }
0xc0: {  	s31 =	sshll.u32 s1, $0xD;
	s1 =	sshrl.u32 s1, $0x2  }
0xc1: {  	s3 =	sand.u32 $0x4000, s31;
	s1 =	sadd.s32 s1, s30  }
0xc2: {  	s0 =	sor.u32 s3, s0;
	s1 =	sshll.u32 s1, $0x11  }
0xc3: {  	s0 =	sor.u32 s1, s0  }
0xc4: {  	s0 =	sadd.s32 $0x8F2B, s0  }
0xc5: {  	[sflag:s0] =	ssyncadd.remote.s32 $0x1  }
0xc6: {  	_ =	sfence.sel $0xFFFF  }
0xc7: {  	[dreg:$0x0] =	wrdreg $0xFFFFFFFF;
	(pc) =	sbr.abs _section_cstart, $3  }
0xc8: {  	[dreg:$0x1] =	wrdreg $0xFFFFFFFF  }
0xc9: {  	_ =	task.clear_ibuf [dreg:s11], $0x2FFFF;
	_ =	strace $0x9FFFFFFF  }
0xca: {  	(tm) =	ssettm $0x7FFFFFFF  }
0xcb: {  	_ =	shalt  }
tec
execute0_lowered:
.L_overlay_start_1:
0x0: {  	(tag) =	ssettag $0x1  }
0x1: {  	s0 =	rddreg [dreg:$0x0]  }
0x2: {  	s1 =	rddreg [dreg:$0x1]  }
0x3: {  	s2 =	rddreg [dreg:$0x2]  }
0x4: {  	s4 =	rddreg [dreg:$0x5]  }
0x5: {  	s3 =	simm.s32 $0x0;
	s6 =	srdreg.scid;
	s8 =	stileid.u32  }
0x6: {  	s11 =	simm.s32 $0x3;
	s12 =	simm.s32 $0x200;
	s14 =	simm.s32 $0x8620  }
0x7: {  	s15 =	simm.s32 $0x80;
	s16 =	simm.s32 $0x400;
	s17 =	simm.s32 $0x4400  }
0x8: {  	s18 =	simm.s32 $0x1400;
	s19 =	simm.s32 $0x280;
	s20 =	simm.s32 $0x5400  }
0x9: {  	s21 =	simm.s32 $0x100;
	s22 =	simm.s32 $0x2400;
	s23 =	simm.s32 $0x300  }
0xa: {  	s24 =	simm.s32 $0x6400;
	s25 =	simm.s32 $0x180;
	s28 =	simm.s32 $0x380  }
0xb: {  	s29 =	simm.s32 $0x7400;
	s30 =	simm.s32 $0x1;
	s31 =	simm.s32 $0x2  }
0xc: {  	[smem:$0x7FF] =	sst s3;
	s5 =	sadd.s32 $0xF42800, s2;
	s6 =	sand.u32 $0x1, s6  }
0xd: {  	vm0 =	vmmov $0x1;
	vm1 =	vmmov $0x3;
	vm2 =	vmmov $0x7;
	s8 =	sshll.u32 s8, $0x7;
	s7 =	ssub.s32 $0x2, s6;
	s9 =	sshll.u32 s6, $0x6  }
0xe: {  	vm3 =	vmmov $0xf;
	vm4 =	vmmov $0x1f;
	vm5 =	vmmov $0x3f;
	_ =	strace $0x80000047;
	s26 =	sshrl.u32 s7, $0x1;
	s9 =	sor.u32 s9, s8  }
0xf: {  	vm6 =	vmmov $0x7f;
	vm7 =	vmmov $0xff;
	vm8 =	vmmov $0x1ff;
	s6 =	sadd.s32 $0x1313200, s2;
	s2 =	ssub.s32 s7, s26;
	s7 =	sadd.s32 s0, s9  }
0x10: {  	vm9 =	vmmov $0x3ff;
	vm10 =	vmmov $0x7ff;
	vm11 =	vmmov $0xfff;
	s8 =	sadd.s32 s1, s9;
	s9 =	sadd.s32 s4, s9;
	s26 =	simm.s32 $0x3400  }
0x11: {  	vm12 =	vmmov $0x1fff;
	vm13 =	vmmov $0x3fff;
	vm14 =	vmmov $0x7fff;
	s0 =	simm.s32 $0x8400;
	s4 =	simm.s32 $0x0;
	s10 =	smax.u32 s2, $0x1  }
.LBB2_1:
0x12: {  	[tilespmem:s3], [sflag:$0x3] =	stream.linear.gather [hbm4b:s7+s3], $0x200, $0x38;
	[tilespmem:$0x8630] =	vst v63  }
0x13: {  	_ =	swait.ge [sflag:s11], $0x200  }
0x14: {  	[sflag:s11] =	ssyncset.done $0x0  }
0x15: {  	[sflag:s11] =	ssyncadd.s32 $0xFFFFFE00  }
0x16: {  	[tilespmem:s12], [sflag:$0x3] =	stream.linear.gather [hbm4b:s8+s3], $0x200, $0x38;
	[tilespmem:$0x8630] =	vst v63  }
0x17: {  	_ =	swait.ge [sflag:s11], $0x200  }
0x18: {  	[sflag:s11] =	ssyncset.done $0x0  }
0x19: {  	[sflag:s11] =	ssyncadd.s32 $0xFFFFFE00  }
0x1a: {  	s2 =	simm.s32 $0x8600;
	s1 =	rddreg [dreg:$0x3]  }
0x1b: {  	[tilespmem:s2], [sflag:$0x3] =	stream.linear.gather [hbm4b:s1+s3], $0x20, $0x38;
	[tilespmem:$0x8630] =	vst v63  }
0x1c: {  	_ =	swait.ge [sflag:s11], $0x20  }
0x1d: {  	[sflag:s11] =	ssyncset.done $0x0  }
0x1e: {  	[sflag:s11] =	ssyncadd.s32 $0xFFFFFFE0  }
0x1f: {  	s2 =	rddreg [dreg:$0x4]  }
0x20: {  	[tilespmem:s14], [sflag:$0x3] =	stream.linear.gather [hbm4b:s2+s3], $0x10, $0x38;
	[tilespmem:$0x8630] =	vst v63  }
0x21: {  	_ =	swait.ge [sflag:s11], $0x10  }
0x22: {  	[sflag:s11] =	ssyncset.done $0x0  }
0x23: {  	[sflag:s11] =	ssyncadd.s32 $0xFFFFFFF0  }
0x24: {  	[tilespmem:s16], [sflag:$0x1] =	stream.indirect.gather [hbm4b:s5+s15], $0x20, s3, s15, $0xb8;
	[tilespmem:$0x8630] =	vst v63  }
0x25: {  	_ = 	snop  }
0x26: {  	[tilespmem:s17], [sflag:$0x2] =	stream.indirect.gather [hbm4b:s6+s15], $0x20, s12, s15, $0xb8;
	[tilespmem:$0x8630] =	vst v63  }
0x27: {  	_ = 	snop  }
0x28: {  	[tilespmem:s18], [sflag:$0x1] =	stream.indirect.gather [hbm4b:s5+s15], $0x20, s15, s15, $0xb8;
	[tilespmem:$0x8630] =	vst v63  }
0x29: {  	_ = 	snop  }
0x2a: {  	[tilespmem:s20], [sflag:$0x2] =	stream.indirect.gather [hbm4b:s6+s15], $0x20, s19, s15, $0xb8;
	[tilespmem:$0x8630] =	vst v63  }
0x2b: {  	_ = 	snop  }
0x2c: {  	[tilespmem:s22], [sflag:$0x1] =	stream.indirect.gather [hbm4b:s5+s15], $0x20, s21, s15, $0xb8;
	[tilespmem:$0x8630] =	vst v63  }
0x2d: {  	_ = 	snop  }
0x2e: {  	[tilespmem:s24], [sflag:$0x2] =	stream.indirect.gather [hbm4b:s6+s15], $0x20, s23, s15, $0xb8;
	[tilespmem:$0x8630] =	vst v63  }
0x2f: {  	_ = 	snop  }
0x30: {  	[tilespmem:s26], [sflag:$0x1] =	stream.indirect.gather [hbm4b:s5+s15], $0x20, s25, s15, $0xb8;
	[tilespmem:$0x8630] =	vst v63  }
0x31: {  	_ = 	snop  }
0x32: {  	[tilespmem:s29], [sflag:$0x2] =	stream.indirect.gather [hbm4b:s6+s15], $0x20, s28, s15, $0xb8;
	[tilespmem:$0x8630] =	vst v63  }
0x33: {  	_ =	swait.ge [sflag:s30], $0x1000  }
0x34: {  	[sflag:s30] =	ssyncset.done $0x0  }
0x35: {  	[sflag:s30] =	ssyncadd.s32 $0xFFFFF000  }
0x36: {  	_ =	swait.ge [sflag:s31], $0x1000  }
0x37: {  	[sflag:s31] =	ssyncset.done $0x0  }
0x38: {  	[sflag:s31] =	ssyncadd.s32 $0xFFFFF000  }
0x39: {  	_ =	swait.ge [sflag:s30], $0x1000  }
0x3a: {  	[sflag:s30] =	ssyncset.done $0x0  }
0x3b: {  	[sflag:s30] =	ssyncadd.s32 $0xFFFFF000  }
0x3c: {  	_ =	swait.ge [sflag:s31], $0x1000  }
0x3d: {  	[sflag:s31] =	ssyncset.done $0x0  }
0x3e: {  	[sflag:s31] =	ssyncadd.s32 $0xFFFFF000  }
0x3f: {  	_ =	swait.ge [sflag:s30], $0x1000  }
0x40: {  	[sflag:s30] =	ssyncset.done $0x0  }
0x41: {  	[sflag:s30] =	ssyncadd.s32 $0xFFFFF000  }
0x42: {  	_ =	swait.ge [sflag:s31], $0x1000  }
0x43: {  	[sflag:s31] =	ssyncset.done $0x0  }
0x44: {  	[sflag:s31] =	ssyncadd.s32 $0xFFFFF000  }
0x45: {  	_ =	swait.ge [sflag:s30], $0x1000  }
0x46: {  	[sflag:s30] =	ssyncset.done $0x0  }
0x47: {  	[sflag:s30] =	ssyncadd.s32 $0xFFFFF000  }
0x48: {  	_ =	swait.ge [sflag:s31], $0x1000  }
0x49: {  	[sflag:s31] =	ssyncset.done $0x0  }
0x4a: {  	[sflag:s31] =	ssyncadd.s32 $0xFFFFF000  }
0x4b: {  	v1 =	vld [tilespmem:$0x8600]  }
0x4c: {  	s13 =	simm.s32 $0x0;
	v0 =	vld [tilespmem:$0x8610]  }
0x4d: {  	v4 =	vld [tilespmem:s13+$0x5C0]  }
0x4e: {  	v5 =	vld [tilespmem:s13+$0x45C0]  }
0x4f: {  	v6 =	vld [tilespmem:s13+$0x5D0]  }
0x50: {  	v7 =	vld [tilespmem:s13+$0x45D0]  }
0x51: {  	v8 =	vld [tilespmem:s13+$0x580]  }
0x52: {  	v9 =	vld [tilespmem:s13+$0x4580]  }
0x53: {  	v10 =	vld [tilespmem:s13+$0x590]  }
0x54: {  	v11 =	vld [tilespmem:s13+$0x4590]  }
0x55: {  	v12 =	vld [tilespmem:s13+$0x560]  }
0x56: {  	v13 =	vld [tilespmem:s13+$0x4560]  }
0x57: {  	v14 =	vld [tilespmem:s13+$0x570]  }
0x58: {  	v15 =	vld [tilespmem:s13+$0x4570]  }
0x59: {  	v16 =	vld [tilespmem:s13+$0x540]  }
0x5a: {  	v17 =	vld [tilespmem:s13+$0x520]  }
0x5b: {  	v18 =	vld [tilespmem:s13+$0x4520]  }
0x5c: {  	v19 =	vld [tilespmem:s13+$0x530]  }
0x5d: {  	v20 =	vld [tilespmem:s13+$0x4530]  }
0x5e: {  	v21 =	vld [tilespmem:s13+$0x500]  }
0x5f: {  	v22 =	vld [tilespmem:s13+$0x4500]  }
0x60: {  	v23 =	vld [tilespmem:s13+$0x510]  }
0x61: {  	v24 =	vld [tilespmem:s13+$0x4510]  }
0x62: {  	v25 =	vld [tilespmem:s13+$0x4E0]  }
0x63: {  	v26 =	vld [tilespmem:s13+$0x4C0]  }
0x64: {  	v27 =	vld [tilespmem:s13+$0x44C0]  }
0x65: {  	v28 =	vld [tilespmem:s13+$0x4D0]  }
0x66: {  	v29 =	vld [tilespmem:s13+$0x44D0]  }
0x67: {  	v30 =	vld [tilespmem:s13+$0x4A0]  }
0x68: {  	v31 =	vld [tilespmem:s13+$0x44A0]  }
0x69: {  	v32 =	vld [tilespmem:s13+$0x4B0]  }
0x6a: {  	v33 =	vld [tilespmem:s13+$0x44B0]  }
0x6b: {  	v34 =	vld [tilespmem:s13+$0x480]  }
0x6c: {  	v35 =	vld [tilespmem:s13+$0x460]  }
0x6d: {  	v44 =	vld [tilespmem:s13+$0x400];
	v4 =	vmul.f32 v5, v4;
	v5 =	vmul.f32 v7, v6  }
0x6e: {  	v46 =	vld [tilespmem:s13+$0x410];
	v7 =	vmul.f32 v9, v8;
	v8 =	vmul.f32 v11, v10  }
0x6f: {  	v48 =	vld [tilespmem:s13+$0x4410];
	v10 =	vmul.f32 v13, v12;
	v12 =	vmul.f32 v15, v14  }
0x70: {  	v50 =	vld [tilespmem:s13+$0x420];
	v14 =	vmul.f32 v18, v17;
	v17 =	vmul.f32 v20, v19  }
0x71: {  	v6 =	vld [tilespmem:s13+$0x4460];
	v19 =	vmul.f32 v22, v21;
	v21 =	vmul.f32 v24, v23  }
0x72: {  	v9 =	vld [tilespmem:s13+$0x470];
	v23 =	vmul.f32 v27, v26;
	v45 =	vmul.f32 v29, v28  }
0x73: {  	v11 =	vld [tilespmem:s13+$0x4470];
	v47 =	vmul.f32 v31, v30;
	v49 =	vmul.f32 v33, v32  }
0x74: {  	v13 =	vld [tilespmem:s13+$0x440];
	v4 =	vmul.f32 v4, v1;
	v5 =	vmul.f32 v5, v0  }
0x75: {  	v15 =	vld [tilespmem:s13+$0x4440];
	v7 =	vmul.f32 v7, v1;
	v8 =	vmul.f32 v8, v0  }
0x76: {  	v18 =	vld [tilespmem:s13+$0x450];
	v10 =	vmul.f32 v10, v1;
	v12 =	vmul.f32 v12, v0  }
0x77: {  	v20 =	vld [tilespmem:s13+$0x4450];
	v14 =	vmul.f32 v14, v1;
	v17 =	vmul.f32 v17, v0  }
0x78: {  	v51 =	vld [tilespmem:s13+$0x4420];
	v19 =	vmul.f32 v19, v1;
	v21 =	vmul.f32 v21, v0  }
0x79: {  	v22 =	vld [tilespmem:s13+$0x4400];
	v23 =	vmul.f32 v23, v1;
	v4 =	vadd.f32 v5, v4;
	v5 =	vmul.f32 v45, v0  }
0x7a: {  	v7 =	vadd.f32 v8, v7;
	v8 =	vmul.f32 v47, v1;
	v9 =	vmul.f32 v11, v9;
	v11 =	vld [tilespmem:s13+$0x430]  }
0x7b: {  	v6 =	vmul.f32 v6, v35;
	v13 =	vmul.f32 v15, v13;
	v15 =	vld [tilespmem:s13+$0x4430]  }
0x7c: {  	(xrf2) =	vadd.scan.msk.f32 $0xffff, v4;
	v4 =	vadd.f32 v12, v10;
	v10 =	vmul.f32 v49, v0;
	v12 =	vmul.f32 v20, v18;
	v18 =	vld [tilespmem:s13+$0x4480]  }
0x7d: {  	(xrf2) =	vadd.scan.msk.f32 $0xffff, v7;
	v7 =	vadd.f32 v17, v14;
	v6 =	vmul.f32 v6, v1;
	v9 =	vmul.f32 v9, v0;
	v14 =	vld [tilespmem:s13+$0x490]  }
0x7e: {  	v13 =	vmul.f32 v13, v1;
	v17 =	vld [tilespmem:s13+$0x4490];
	(xrf2) =	vadd.scan.msk.f32 $0xffff, v4;
	v4 =	vadd.f32 v21, v19;
	v12 =	vmul.f32 v12, v0  }
0x7f: {  	v5 =	vadd.f32 v5, v23;
	v20 =	vld [tilespmem:s13+$0x44E0];
	v19 =	vmul.f32 v48, v46;
	(xrf2) =	vadd.scan.msk.f32 $0xffff, v7;
	v7 =	vmul.f32 v22, v44  }
0x80: {  	(xrf2) =	vadd.scan.msk.f32 $0xffff, v4;
	v4 =	vadd.f32 v10, v8;
	v8 =	vmul.f32 v51, v50;
	v10 =	vmul.f32 v15, v11;
	v11 =	vld [tilespmem:s13+$0x4F0]  }
0x81: {  	(xrf2) =	vadd.scan.msk.f32 $0xffff, v5;
	v5 =	vadd.f32 v9, v6;
	v6 =	vmul.f32 v7, v1;
	v7 =	vmul.f32 v19, v0;
	v9 =	vld [tilespmem:s13+$0x44F0]  }
0x82: {  	(xrf2) =	vadd.scan.msk.f32 $0xffff, v4;
	v4 =	vadd.f32 v12, v13;
	v8 =	vmul.f32 v8, v1;
	v10 =	vmul.f32 v10, v0;
	v12 =	vld [tilespmem:s13+$0x4540]  }
0x83: {  	v13 =	vld [tilespmem:s13+$0x550];
	(xrf2) =	vadd.scan.msk.f32 $0xffff, v5;
	v5 =	vadd.f32 v7, v6;
	v6 =	vmul.f32 v18, v34;
	v7 =	vmul.f32 v17, v14  }
0x84: {  	(xrf2) =	vadd.scan.msk.f32 $0xffff, v4;
	v4 =	vadd.f32 v10, v8;
	v8 =	vld [tilespmem:s13+$0x4550]  }
0x85: {  	(xrf2) =	vadd.scan.msk.f32 $0xffff, v5;
	v5 =	vmul.f32 v6, v1;
	v6 =	vmul.f32 v7, v0  }
0x86: {  	v14 =	vmul.f32 v20, v25  }
0x87: {  	v10, _, _ =	vpop (xrf2);
	v9 =	vmul.f32 v9, v11;
	(xrf2) =	vadd.scan.msk.f32 $0xffff, v4;
	v5 =	vadd.f32 v6, v5  }
0x88: {  	v3 =	vld [tilespmem:s13+$0x5A0];
	v14 =	vmul.f32 v14, v1;
	v12 =	vmul.f32 v12, v16;
	v4, _, _ =	vpop (xrf2)  }
0x89: {  	v7 =	vld [tilespmem:s13+$0x45A0];
	v9 =	vmul.f32 v9, v0;
	v15, _, _ =	vpop (xrf2);
	v8 =	vmul.f32 v8, v13  }
0x8a: {  	v11 =	vld [tilespmem:s13+$0x5B0];
	v18, _, _ =	vpop (xrf2)  }
0x8b: {  	v6 =	vld [tilespmem:s13+$0x45B0];
	(xrf2) =	vadd.scan.msk.f32 $0xffff, v5;
	v12 =	vmul.f32 v12, v1;
	v9 =	vadd.f32 v9, v14;
	v5, _, _ =	vpop (xrf2);
	v8 =	vmul.f32 v8, v0  }
0x8c: {  	v14, _, _ =	vpop (xrf2)  }
0x8d: {  	v19, _, _ =	vpop (xrf2);
	v8 =	vadd.f32 v8, v12  }
0x8e: {  	v2 =	vld [tilespmem:s13+$0x5E0];
	v3 =	vmul.f32 v7, v3;
	v7, _, _ =	vpop (xrf2)  }
0x8f: {  	v17 =	vld [tilespmem:s13+$0x45E0];
	(xrf2) =	vadd.scan.msk.f32 $0xffff, v9;
	v9, _, _ =	vpop (xrf2)  }
0x90: {  	v16 =	vld [tilespmem:s13+$0x45F0];
	v6 =	vmul.f32 v6, v11;
	v11, _, _ =	vpop (xrf2)  }
0x91: {  	v13 =	vld [tilespmem:s13+$0x5F0];
	v3 =	vmul.f32 v3, v1;
	(xrf2) =	vadd.scan.msk.f32 $0xffff, v8;
	v8, _, _ =	vpop (xrf2)  }
0x92: {  	v6 =	vmul.f32 v6, v0;
	v8 =	vbroadcast v8, $0xF;
	_ =	sdelay $0x1  }
0x93: {  	v2 =	vmul.f32 v17, v2;
	v3 =	vadd.f32 v6, v3;
	v11 =	vbroadcast v11, $0xF;
	_ =	sdelay $0x1  }
0x94: {  	v2 =	vmul.f32 v2, v1;
	v6 =	vmul.f32 v16, v13;
	(xrf2) =	vadd.scan.msk.f32 $0xffff, v3;
	v3 =	vsel vm0, v11, v8;
	v8, _, _ =	vpop (xrf2)  }
0x95: {  	v9 =	vbroadcast v9, $0xF;
	v8 =	vbroadcast v8, $0xF  }
0x96: {  	v7 =	vbroadcast v7, $0xF;
	v6 =	vmul.f32 v6, v0  }
0x97: {  	v3 =	vsel vm1, v3, v9  }
0x98: {  	v2 =	vadd.f32 v6, v2;
	v6 =	vbroadcast v19, $0xF;
	v3 =	vsel vm2, v3, v7  }
0x99: {  	v7 =	vbroadcast v14, $0xF;
	v3 =	vsel vm3, v3, v8;
	v8, _, _ =	vpop (xrf2)  }
0x9a: {  	(xrf2) =	vadd.scan.msk.f32 $0xffff, v2;
	v2 =	vsel vm4, v3, v6;
	v3 =	vbroadcast v8, $0xF  }
0x9b: {  	v5 =	vbroadcast v5, $0xF;
	v2 =	vsel vm5, v2, v7  }
0x9c: {  	v6, _, _ =	vpop (xrf2);
	v2 =	vsel vm6, v2, v3;
	v3 =	vbroadcast v18, $0xF  }
0x9d: {  	v2 =	vsel vm7, v2, v5;
	v5 =	vbroadcast v6, $0xF  }
0x9e: {  	v2 =	vsel vm8, v2, v3;
	v3 =	vbroadcast v15, $0xF  }
0x9f: {  	v4 =	vbroadcast v4, $0xF;
	v5 =	vsel vm9, v2, v5  }
0xa0: {  	v3 =	vsel vm10, v5, v3  }
0xa1: {  	v6, _, _ =	vpop (xrf2);
	v3 =	vsel vm11, v3, v4;
	v4 =	vbroadcast v10, $0xF  }
0xa2: {  	v2 =	vld [tilespmem:$0x8620];
	v5 =	vbroadcast v6, $0xF;
	_ =	sdelay $0x1  }
0xa3: {  	v3 =	vsel vm12, v3, v5  }
0xa4: {  	v3 =	vsel vm13, v3, v4;
	v4, _, _ =	vpop (xrf2)  }
0xa5: {  	v3 =	vsel vm14, v3, v4  }
0xa6: {  	v3 =	vadd.f32 v3, v2;
	_ =	sdelay $0x1  }
0xa7: {  	v3 =	vsub.f32 $0.0e+00, v3;
	_ =	sdelay $0x1  }
0xa8: {  	v3 =	vmul.f32 $1.442695020e+00, v3;
	_ =	sdelay $0x1  }
0xa9: {  	(erf) = vpow2.f32 v3;
	_ =	sdelay $0x8  }
0xaa: {  	v3 =	vpop (erf)  }
0xab: {  	v3 =	vadd.f32 $1.000000000e+00, v3;
	_ =	sdelay $0x1  }
0xac: {  	(erf) = vrcp.f32 v3;
	_ =	sdelay $0x8  }
0xad: {  	v3 =	vpop (erf)  }
0xae: {  	s2 =	simm.s32 $0x200;
	[tilespmem:s0+$0x0] =	vst v3  }
0xaf: {  	v3 =	vld [tilespmem:s2+$0x5E0]  }
0xb0: {  	v6 =	vld [tilespmem:s2+$0x5C0]  }
0xb1: {  	v7 =	vld [tilespmem:s2+$0x45C0]  }
0xb2: {  	v9 =	vld [tilespmem:s2+$0x5D0]  }
0xb3: {  	v10 =	vld [tilespmem:s2+$0x45D0]  }
0xb4: {  	v4 =	vld [tilespmem:s2+$0x5A0]  }
0xb5: {  	v11 =	vld [tilespmem:s2+$0x580]  }
0xb6: {  	v12 =	vld [tilespmem:s2+$0x4580]  }
0xb7: {  	v13 =	vld [tilespmem:s2+$0x590]  }
0xb8: {  	v14 =	vld [tilespmem:s2+$0x4590]  }
0xb9: {  	v15 =	vld [tilespmem:s2+$0x560]  }
0xba: {  	v16 =	vld [tilespmem:s2+$0x4560]  }
0xbb: {  	v17 =	vld [tilespmem:s2+$0x570]  }
0xbc: {  	v18 =	vld [tilespmem:s2+$0x4570]  }
0xbd: {  	v5 =	vld [tilespmem:s2+$0x540]  }
0xbe: {  	v19 =	vld [tilespmem:s2+$0x520]  }
0xbf: {  	v20 =	vld [tilespmem:s2+$0x4520]  }
0xc0: {  	v21 =	vld [tilespmem:s2+$0x530]  }
0xc1: {  	v22 =	vld [tilespmem:s2+$0x4530]  }
0xc2: {  	v23 =	vld [tilespmem:s2+$0x500]  }
0xc3: {  	v52 =	vld [tilespmem:s2+$0x4500]  }
0xc4: {  	v53 =	vld [tilespmem:s2+$0x510]  }
0xc5: {  	v54 =	vld [tilespmem:s2+$0x4510]  }
0xc6: {  	v8 =	vld [tilespmem:s2+$0x4E0]  }
0xc7: {  	v55 =	vld [tilespmem:s2+$0x4C0]  }
0xc8: {  	v56 =	vld [tilespmem:s2+$0x44C0];
	v6 =	vmul.f32 v7, v6;
	v9 =	vmul.f32 v10, v9  }
0xc9: {  	v57 =	vld [tilespmem:s2+$0x4D0];
	v10 =	vmul.f32 v12, v11;
	v11 =	vmul.f32 v14, v13  }
0xca: {  	v58 =	vld [tilespmem:s2+$0x4A0];
	v6 =	vmul.f32 v6, v1;
	v9 =	vmul.f32 v9, v0  }
0xcb: {  	v60 =	vld [tilespmem:s2+$0x4450];
	v14 =	vmul.f32 v16, v15;
	v15 =	vmul.f32 v18, v17  }
0xcc: {  	v7 =	vld [tilespmem:s2+$0x44D0];
	v17 =	vmul.f32 v10, v1;
	v11 =	vmul.f32 v11, v0;
	v6 =	vadd.f32 v9, v6  }
0xcd: {  	v12 =	vld [tilespmem:s2+$0x44A0];
	v9 =	vmul.f32 v14, v1;
	v14 =	vmul.f32 v15, v0  }
0xce: {  	v13 =	vld [tilespmem:s2+$0x4B0];
	v11 =	vadd.f32 v11, v17;
	(xrf2) =	vadd.scan.msk.f32 $0xffff, v6  }
0xcf: {  	v16 =	vld [tilespmem:s2+$0x44B0];
	v15 =	vmul.f32 v22, v21;
	v6 =	vadd.f32 v14, v9;
	v14 =	vmul.f32 v20, v19  }
0xd0: {  	v18 =	vld [tilespmem:s2+$0x460];
	(xrf2) =	vadd.scan.msk.f32 $0xffff, v11  }
0xd1: {  	v10 =	vld [tilespmem:s2+$0x480];
	(xrf2) =	vadd.scan.msk.f32 $0xffff, v6;
	v6 =	vmul.f32 v14, v1;
	v14 =	vmul.f32 v15, v0  }
0xd2: {  	v17 =	vld [tilespmem:s2+$0x4460];
	v20 =	vmul.f32 v54, v53;
	v11 =	vmul.f32 v52, v23  }
0xd3: {  	v21 =	vld [tilespmem:s2+$0x440];
	v6 =	vadd.f32 v14, v6  }
0xd4: {  	v9 =	vld [tilespmem:s2+$0x470];
	v20 =	vmul.f32 v20, v0;
	v15 =	vmul.f32 v11, v1  }
0xd5: {  	v59 =	vmul.f32 v56, v55;
	v7 =	vmul.f32 v7, v57;
	v19 =	vld [tilespmem:s2+$0x4470];
	(xrf2) =	vadd.scan.msk.f32 $0xffff, v6  }
0xd6: {  	v22 =	vld [tilespmem:s2+$0x4440];
	v61 =	vmul.f32 v12, v58;
	v16 =	vmul.f32 v16, v13;
	v20 =	vadd.f32 v20, v15  }
0xd7: {  	v12 =	vld [tilespmem:s2+$0x400];
	v7 =	vmul.f32 v7, v0;
	v14 =	vmul.f32 v59, v1  }
0xd8: {  	v13 =	vld [tilespmem:s2+$0x410];
	v6, _, _ =	vpop (xrf2);
	(xrf2) =	vadd.scan.msk.f32 $0xffff, v20  }
0xd9: {  	v23 =	vld [tilespmem:s2+$0x450];
	v62 =	vmul.f32 v61, v1;
	v16 =	vmul.f32 v16, v0;
	v63 =	vadd.f32 v7, v14  }
0xda: {  	v11 =	vld [tilespmem:s2+$0x4400];
	v9 =	vmul.f32 v19, v9  }
0xdb: {  	v17 =	vmul.f32 v17, v18;
	v24 =	vadd.f32 v16, v62;
	v16 =	vld [tilespmem:s2+$0x4420];
	v7, _, _ =	vpop (xrf2);
	(xrf2) =	vadd.scan.msk.f32 $0xffff, v63  }
0xdc: {  	v15 =	vld [tilespmem:s2+$0x4410]  }
0xdd: {  	v18 =	vmul.f32 v17, v1;
	v17 =	vld [tilespmem:s2+$0x430];
	v19 =	vmul.f32 v9, v0  }
0xde: {  	s1 =	simm.s32 $0x8400;
	s13 =	simm.s32 $0x1000;
	v21 =	vmul.f32 v22, v21;
	v14 =	vld [tilespmem:s2+$0x420];
	v20 =	vmul.f32 v60, v23;
	v9, _, _ =	vpop (xrf2);
	(xrf2) =	vadd.scan.msk.f32 $0xffff, v24  }
.LBB2_2:
0xdf: {  	p0 =	sne.s32 s13, $0xF800;
	v22 =	vld [tilespmem:s2+$0x4430];
	v18 =	vadd.f32 v19, v18;
	v19, _, _ =	vpop (xrf2)  }
0xe0: {  	v21 =	vmul.f32 v21, v1;
	v24 =	vmul.f32 v20, v0;
	v23 =	vld [tilespmem:s2+$0x4480]  }
0xe1: {  	v11 =	vmul.f32 v11, v12;
	v12 =	vmul.f32 v15, v13;
	v13 =	vld [tilespmem:s2+$0x490];
	(xrf2) =	vadd.scan.msk.f32 $0xffff, v18  }
0xe2: {  	v24 =	vadd.f32 v24, v21;
	v18 =	vld [tilespmem:s2+$0x4490];
	v20, _, _ =	vpop (xrf2)  }
0xe3: {  	v11 =	vmul.f32 v11, v1;
	v12 =	vmul.f32 v12, v0;
	v21 =	vld [tilespmem:s2+$0x44E0]  }
0xe4: {  	v14 =	vmul.f32 v16, v14;
	v16 =	vmul.f32 v22, v17;
	v17 =	vld [tilespmem:s2+$0x4F0];
	(xrf2) =	vadd.scan.msk.f32 $0xffff, v24  }
0xe5: {  	v11 =	vadd.f32 v12, v11;
	v12 =	vld [tilespmem:s2+$0x44F0];
	v15, _, _ =	vpop (xrf2)  }
0xe6: {  	v14 =	vmul.f32 v14, v1;
	v24 =	vmul.f32 v16, v0;
	v22 =	vld [tilespmem:s2+$0x4540]  }
0xe7: {  	v10 =	vmul.f32 v23, v10;
	v13 =	vmul.f32 v18, v13;
	v18 =	vld [tilespmem:s2+$0x550];
	(xrf2) =	vadd.scan.msk.f32 $0xffff, v11  }
0xe8: {  	v11 =	vadd.f32 v24, v14;
	v14 =	vld [tilespmem:s2+$0x4550];
	v16, _, _ =	vpop (xrf2)  }
0xe9: {  	v10 =	vmul.f32 v10, v1;
	v24 =	vmul.f32 v13, v0;
	v23 =	vld [tilespmem:s2+$0x45A0]  }
0xea: {  	v8 =	vmul.f32 v21, v8;
	v12 =	vmul.f32 v12, v17;
	v17 =	vld [tilespmem:s2+$0x5B0];
	(xrf2) =	vadd.scan.msk.f32 $0xffff, v11  }
0xeb: {  	v10 =	vadd.f32 v24, v10;
	v11 =	vld [tilespmem:s2+$0x45B0];
	v13, _, _ =	vpop (xrf2)  }
0xec: {  	v8 =	vmul.f32 v8, v1;
	v24 =	vmul.f32 v12, v0;
	v21 =	vld [tilespmem:s2+$0x45E0]  }
0xed: {  	v5 =	vmul.f32 v22, v5;
	v14 =	vmul.f32 v14, v18;
	(xrf2) =	vadd.scan.msk.f32 $0xffff, v10  }
0xee: {  	v22 =	vadd.f32 v24, v8;
	v10 =	vld [tilespmem:s2+$0x5F0];
	v12, _, _ =	vpop (xrf2)  }
0xef: {  	v5 =	vmul.f32 v5, v1;
	v14 =	vmul.f32 v14, v0;
	v18 =	vld [tilespmem:s2+$0x45F0]  }
0xf0: {  	v4 =	vmul.f32 v23, v4;
	v11 =	vmul.f32 v11, v17;
	(xrf2) =	vadd.scan.msk.f32 $0xffff, v22  }
0xf1: {  	v5 =	vadd.f32 v14, v5;
	v3 =	vmul.f32 v21, v3;
	v8, _, _ =	vpop (xrf2)  }
0xf2: {  	v4 =	vmul.f32 v4, v1;
	v11 =	vmul.f32 v11, v0  }
0xf3: {  	(xrf2) =	vadd.scan.msk.f32 $0xffff, v5  }
0xf4: {  	v3 =	vmul.f32 v3, v1;
	v4 =	vadd.f32 v11, v4;
	v5 =	vmul.f32 v18, v10;
	v10, _, _ =	vpop (xrf2)  }
0xf5: {  	v8 =	vbroadcast v8, $0xF;
	v14 =	vbroadcast v10, $0xF  }
0xf6: {  	v11 =	vbroadcast v12, $0xF;
	v5 =	vmul.f32 v5, v0;
	(xrf2) =	vadd.scan.msk.f32 $0xffff, v4  }
0xf7: {  	v4 =	vsel vm0, v8, v14;
	v8 =	vbroadcast v13, $0xF;
	v10, _, _ =	vpop (xrf2)  }
0xf8: {  	v4 =	vsel vm1, v4, v11;
	v11 =	vbroadcast v10, $0xF;
	v3 =	vadd.f32 v5, v3  }
0xf9: {  	v5 =	vbroadcast v16, $0xF;
	v4 =	vsel vm2, v4, v8  }
0xfa: {  	v4 =	vsel vm3, v4, v11;
	v11 =	vbroadcast v15, $0xF;
	v10, _, _ =	vpop (xrf2);
	(xrf2) =	vadd.scan.msk.f32 $0xffff, v3  }
0xfb: {  	v3 =	vsel vm4, v4, v5;
	v4 =	vbroadcast v10, $0xF  }
0xfc: {  	v5 =	vbroadcast v20, $0xF;
	v3 =	vsel vm5, v3, v11  }
0xfd: {  	v3 =	vsel vm6, v3, v4;
	v4 =	vbroadcast v19, $0xF;
	v8, _, _ =	vpop (xrf2)  }
0xfe: {  	v3 =	vsel vm7, v3, v5;
	v5 =	vbroadcast v8, $0xF  }
0xff: {  	v3 =	vsel vm8, v3, v4;
	v4 =	vbroadcast v9, $0xF  }
0x100: {  	v3 =	vsel vm9, v3, v5;
	v5 =	vbroadcast v7, $0xF;
	v7, _, _ =	vpop (xrf2)  }
0x101: {  	v3 =	vsel vm10, v3, v4;
	v7 =	vbroadcast v7, $0xF  }
0x102: {  	v3 =	vsel vm11, v3, v5;
	v5 =	vbroadcast v6, $0xF  }
0x103: {  	v3 =	vsel vm12, v3, v7  }
0x104: {  	v3 =	vsel vm13, v3, v5;
	v4, _, _ =	vpop (xrf2)  }
0x105: {  	v3 =	vsel vm14, v3, v4  }
0x106: {  	v3 =	vadd.f32 v3, v2;
	_ =	sdelay $0x1  }
0x107: {  	v3 =	vsub.f32 $0.0e+00, v3;
	_ =	sdelay $0x1  }
0x108: {  	v3 =	vmul.f32 $1.442695020e+00, v3;
	_ =	sdelay $0x1  }
0x109: {  	(erf) = vpow2.f32 v3;
	_ =	sdelay $0x8  }
0x10a: {  	v3 =	vpop (erf)  }
0x10b: {  	v3 =	vadd.f32 $1.000000000e+00, v3;
	_ =	sdelay $0x1  }
0x10c: {  	(erf) = vrcp.f32 v3;
	_ =	sdelay $0x8  }
0x10d: {  	s1 =	sadd.s32 $0x10, s1;
	v3 =	vpop (erf)  }
0x10e: {  	s2 =	sshra.s32 s13, $0x2;
	[tilespmem:s1+$0x0] =	vst v3  }
0x10f: {  	v3 =	vld [tilespmem:s2+$0x5E0]  }
0x110: {  	v6 =	vld [tilespmem:s2+$0x5C0]  }
0x111: {  	v7 =	vld [tilespmem:s2+$0x45C0]  }
0x112: {  	v9 =	vld [tilespmem:s2+$0x5D0]  }
0x113: {  	v10 =	vld [tilespmem:s2+$0x45D0]  }
0x114: {  	v4 =	vld [tilespmem:s2+$0x5A0]  }
0x115: {  	v11 =	vld [tilespmem:s2+$0x580]  }
0x116: {  	v12 =	vld [tilespmem:s2+$0x4580]  }
0x117: {  	v13 =	vld [tilespmem:s2+$0x590]  }
0x118: {  	v14 =	vld [tilespmem:s2+$0x4590]  }
0x119: {  	v15 =	vld [tilespmem:s2+$0x560]  }
0x11a: {  	v16 =	vld [tilespmem:s2+$0x4560]  }
0x11b: {  	v17 =	vld [tilespmem:s2+$0x570]  }
0x11c: {  	v18 =	vld [tilespmem:s2+$0x4570]  }
0x11d: {  	v5 =	vld [tilespmem:s2+$0x540]  }
0x11e: {  	v19 =	vld [tilespmem:s2+$0x520]  }
0x11f: {  	v20 =	vld [tilespmem:s2+$0x4520]  }
0x120: {  	v21 =	vld [tilespmem:s2+$0x530]  }
0x121: {  	v22 =	vld [tilespmem:s2+$0x4530]  }
0x122: {  	v23 =	vld [tilespmem:s2+$0x500]  }
0x123: {  	v24 =	vld [tilespmem:s2+$0x4500]  }
0x124: {  	v25 =	vld [tilespmem:s2+$0x510]  }
0x125: {  	v26 =	vld [tilespmem:s2+$0x4510]  }
0x126: {  	v6 =	vmul.f32 v7, v6;
	v7 =	vmul.f32 v10, v9;
	v8 =	vld [tilespmem:s2+$0x4E0]  }
0x127: {  	v9 =	vld [tilespmem:s2+$0x4C0]  }
0x128: {  	v6 =	vmul.f32 v6, v1;
	v7 =	vmul.f32 v7, v0;
	v27 =	vld [tilespmem:s2+$0x44C0]  }
0x129: {  	v10 =	vmul.f32 v12, v11;
	v11 =	vmul.f32 v14, v13;
	v28 =	vld [tilespmem:s2+$0x4D0]  }
0x12a: {  	v6 =	vadd.f32 v7, v6;
	v12 =	vld [tilespmem:s2+$0x44D0]  }
0x12b: {  	v10 =	vmul.f32 v10, v1;
	v11 =	vmul.f32 v11, v0;
	v7 =	vld [tilespmem:s2+$0x4A0]  }
0x12c: {  	v14 =	vmul.f32 v16, v15;
	v15 =	vmul.f32 v18, v17;
	v13 =	vld [tilespmem:s2+$0x44A0];
	(xrf2) =	vadd.scan.msk.f32 $0xffff, v6  }
0x12d: {  	v6 =	vadd.f32 v11, v10;
	v16 =	vld [tilespmem:s2+$0x4B0]  }
0x12e: {  	v11 =	vmul.f32 v14, v1;
	v14 =	vmul.f32 v15, v0;
	v17 =	vld [tilespmem:s2+$0x44B0]  }
0x12f: {  	v18 =	vmul.f32 v22, v21;
	v15 =	vmul.f32 v20, v19;
	v10 =	vld [tilespmem:s2+$0x480];
	(xrf2) =	vadd.scan.msk.f32 $0xffff, v6  }
0x130: {  	v6 =	vadd.f32 v14, v11;
	v19 =	vld [tilespmem:s2+$0x460]  }
0x131: {  	v11 =	vmul.f32 v15, v1;
	v15 =	vmul.f32 v18, v0;
	v14 =	vld [tilespmem:s2+$0x4460]  }
0x132: {  	v21 =	vmul.f32 v26, v25;
	v20 =	vmul.f32 v24, v23;
	v18 =	vld [tilespmem:s2+$0x470];
	(xrf2) =	vadd.scan.msk.f32 $0xffff, v6  }
0x133: {  	v25 =	vadd.f32 v15, v11;
	v22 =	vld [tilespmem:s2+$0x4470]  }
0x134: {  	v11 =	vmul.f32 v20, v1;
	v15 =	vmul.f32 v21, v0;
	v23 =	vld [tilespmem:s2+$0x440]  }
0x135: {  	v9 =	vmul.f32 v27, v9;
	v12 =	vmul.f32 v12, v28;
	v20 =	vld [tilespmem:s2+$0x4440];
	(xrf2) =	vadd.scan.msk.f32 $0xffff, v25  }
0x136: {  	v15 =	vadd.f32 v15, v11;
	v24 =	vld [tilespmem:s2+$0x450];
	v6, _, _ =	vpop (xrf2)  }
0x137: {  	v9 =	vmul.f32 v9, v1;
	v21 =	vmul.f32 v12, v0;
	v25 =	vld [tilespmem:s2+$0x4450]  }
0x138: {  	v26 =	vmul.f32 v13, v7;
	v16 =	vmul.f32 v17, v16;
	v11 =	vld [tilespmem:s2+$0x4400];
	(xrf2) =	vadd.scan.msk.f32 $0xffff, v15  }
0x139: {  	v27 =	vadd.f32 v21, v9;
	v12 =	vld [tilespmem:s2+$0x400];
	v7, _, _ =	vpop (xrf2)  }
.Ltmp0:
0x13a: {  	v17 =	vmul.f32 v26, v1;
	v16 =	vmul.f32 v16, v0;
	v13 =	vld [tilespmem:s2+$0x410];
	(pc) =	sbr.rel @p0 .LBB2_2-.Ltmp0, $4  }
0x13b: {  	v19 =	vmul.f32 v14, v19;
	v21 =	vmul.f32 v22, v18;
	v15 =	vld [tilespmem:s2+$0x4410];
	(xrf2) =	vadd.scan.msk.f32 $0xffff, v27  }
0x13c: {  	v22 =	vadd.f32 v16, v17;
	v14 =	vld [tilespmem:s2+$0x420];
	v9, _, _ =	vpop (xrf2)  }
0x13d: {  	v18 =	vmul.f32 v19, v1;
	v19 =	vmul.f32 v21, v0;
	v16 =	vld [tilespmem:s2+$0x4420]  }
0x13e: {  	s13 =	sadd.s32 $0x800, s13;
	v21 =	vmul.f32 v20, v23;
	v20 =	vmul.f32 v25, v24;
	v17 =	vld [tilespmem:s2+$0x430];
	(xrf2) =	vadd.scan.msk.f32 $0xffff, v22  }
0x13f: {  	v22 =	vld [tilespmem:s2+$0x4430]  }
0x140: {  	v23 =	vld [tilespmem:s2+$0x4480]  }
0x141: {  	v24 =	vld [tilespmem:s2+$0x490]  }
0x142: {  	v11 =	vmul.f32 v11, v12;
	v58 =	vld [tilespmem:s2+$0x4490];
	v57 =	vmul.f32 v15, v13  }
0x143: {  	v60 =	vld [tilespmem:s2+$0x44E0];
	v59 =	vmul.f32 v21, v1;
	v20 =	vmul.f32 v20, v0  }
0x144: {  	v61 =	vld [tilespmem:s2+$0x4F0];
	v14 =	vmul.f32 v16, v14;
	v17 =	vmul.f32 v22, v17  }
0x145: {  	v18 =	vadd.f32 v19, v18;
	v62 =	vld [tilespmem:s2+$0x44F0];
	v11 =	vmul.f32 v11, v1;
	v12 =	vmul.f32 v57, v0  }
0x146: {  	v63 =	vld [tilespmem:s2+$0x4540];
	v15 =	vadd.f32 v20, v59;
	v14 =	vmul.f32 v14, v1;
	v17 =	vmul.f32 v17, v0  }
0x147: {  	(xrf2) =	vadd.scan.msk.f32 $0xffff, v18;
	v11 =	vadd.f32 v12, v11;
	v10 =	vmul.f32 v23, v10;
	v18 =	vmul.f32 v58, v24;
	v22 =	vld [tilespmem:s2+$0x550]  }
0x148: {  	(xrf2) =	vadd.scan.msk.f32 $0xffff, v15;
	v23 =	vld [tilespmem:s2+$0x4550];
	v14 =	vadd.f32 v17, v14  }
0x149: {  	v25 =	vld [tilespmem:s2+$0x45A0];
	(xrf2) =	vadd.scan.msk.f32 $0xffff, v11;
	v10 =	vmul.f32 v10, v1;
	v24 =	vmul.f32 v18, v0  }
0x14a: {  	v27 =	vld [tilespmem:s2+$0x5B0];
	v8 =	vmul.f32 v60, v8;
	v26 =	vmul.f32 v62, v61;
	(xrf2) =	vadd.scan.msk.f32 $0xffff, v14  }
0x14b: {  	v28 =	vld [tilespmem:s2+$0x45B0];
	v10 =	vadd.f32 v24, v10  }
0x14c: {  	v30 =	vld [tilespmem:s2+$0x45E0];
	v8 =	vmul.f32 v8, v1;
	v29 =	vmul.f32 v26, v0  }
0x14d: {  	v31, _, _ =	vpop (xrf2);
	v5 =	vmul.f32 v63, v5;
	v13 =	vmul.f32 v23, v22;
	(xrf2) =	vadd.scan.msk.f32 $0xffff, v10  }
0x14e: {  	v33 =	vld [tilespmem:s2+$0x5F0];
	v32, _, _ =	vpop (xrf2);
	v8 =	vadd.f32 v29, v8  }
0x14f: {  	v35 =	vld [tilespmem:s2+$0x45F0];
	v34, _, _ =	vpop (xrf2);
	v5 =	vmul.f32 v5, v1;
	v13 =	vmul.f32 v13, v0  }
0x150: {  	v4 =	vmul.f32 v25, v4;
	v11 =	vmul.f32 v28, v27;
	v36, _, _ =	vpop (xrf2);
	(xrf2) =	vadd.scan.msk.f32 $0xffff, v8  }
0x151: {  	v3 =	vmul.f32 v30, v3;
	v37, _, _ =	vpop (xrf2);
	v5 =	vadd.f32 v13, v5  }
0x152: {  	v4 =	vmul.f32 v4, v1;
	v11 =	vmul.f32 v11, v0;
	v38, _, _ =	vpop (xrf2)  }
0x153: {  	(xrf2) =	vadd.scan.msk.f32 $0xffff, v5;
	v39, _, _ =	vpop (xrf2)  }
0x154: {  	v41 =	vmul.f32 v35, v33;
	v40 =	vmul.f32 v3, v1;
	v4 =	vadd.f32 v11, v4;
	v42, _, _ =	vpop (xrf2)  }
0x155: {  	v43 =	vbroadcast v39, $0xF;
	v5 =	vbroadcast v42, $0xF  }
0x156: {  	v44 =	vmul.f32 v41, v0;
	v12 =	vbroadcast v38, $0xF;
	(xrf2) =	vadd.scan.msk.f32 $0xffff, v4  }
0x157: {  	v46 =	vbroadcast v37, $0xF;
	v47, _, _ =	vpop (xrf2);
	v45 =	vsel vm0, v43, v5  }
0x158: {  	v0 =	vadd.f32 v44, v40;
	v5 =	vbroadcast v47, $0xF;
	v3 =	vsel vm1, v45, v12  }
0x159: {  	v49 =	vbroadcast v36, $0xF;
	v48 =	vsel vm2, v3, v46  }
0x15a: {  	v50 =	vbroadcast v34, $0xF;
	(xrf2) =	vadd.scan.msk.f32 $0xffff, v0;
	v51, _, _ =	vpop (xrf2);
	v1 =	vsel vm3, v48, v5  }
0x15b: {  	v53 =	vbroadcast v51, $0xF;
	v52 =	vsel vm4, v1, v49  }
0x15c: {  	v54 =	vbroadcast v32, $0xF;
	v0 =	vsel vm5, v52, v50  }
0x15d: {  	v55 =	vbroadcast v31, $0xF;
	v56, _, _ =	vpop (xrf2);
	v0 =	vsel vm6, v0, v53  }
0x15e: {  	v57 =	vbroadcast v56, $0xF;
	v0 =	vsel vm7, v0, v54  }
0x15f: {  	v58 =	vbroadcast v9, $0xF;
	v0 =	vsel vm8, v0, v55  }
0x160: {  	v59 =	vbroadcast v7, $0xF;
	v60, _, _ =	vpop (xrf2);
	v0 =	vsel vm9, v0, v57  }
0x161: {  	v61 =	vbroadcast v60, $0xF;
	v0 =	vsel vm10, v0, v58  }
0x162: {  	v62 =	vbroadcast v6, $0xF;
	v0 =	vsel vm11, v0, v59  }
0x163: {  	v0 =	vsel vm12, v0, v61  }
0x164: {  	v63, _, _ =	vpop (xrf2);
	v0 =	vsel vm13, v0, v62  }
0x165: {  	v0 =	vsel vm14, v0, v63  }
0x166: {  	v0 =	vadd.f32 v0, v2;
	_ =	sdelay $0x1  }
0x167: {  	v0 =	vsub.f32 $0.0e+00, v0;
	_ =	sdelay $0x1  }
0x168: {  	v0 =	vmul.f32 $1.442695020e+00, v0;
	_ =	sdelay $0x1  }
0x169: {  	(erf) = vpow2.f32 v0;
	_ =	sdelay $0x8  }
0x16a: {  	v0 =	vpop (erf)  }
0x16b: {  	v0 =	vadd.f32 $1.000000000e+00, v0;
	_ =	sdelay $0x1  }
0x16c: {  	(erf) = vrcp.f32 v0;
	_ =	sdelay $0x7  }
0x16d: {  	s4 =	sadd.s32 $0x1, s4  }
0x16e: {  	s1 =	sadd.s32 $0x10, s1;
	p0 =	sne.s32 s4, s10;
	v0 =	vpop (erf)  }
.Ltmp1:
0x16f: {  	[tilespmem:s1+$0x0] =	vst v0;
	(pc) =	sbr.rel @p0 .LBB2_1-.Ltmp1, $4  }
0x170: {  	[hbm4b:s9+s3] =	stream.linear.scatter [tilespmem:s0], [sflag:$0x3], $0x200, $0x38;
	[tilespmem:$0x8630] =	vst v63  }
0x171: {  	_ =	swait.ge [sflag:s11], $0x200  }
0x172: {  	[sflag:s11] =	ssyncset.done $0x0  }
0x173: {  	[sflag:s11] =	ssyncadd.s32 $0xFFFFFE00  }
0x174: {  	_ =	sfence.sel $0x180000  }
0x175: {  	[bflag:$0x0] =	sbarrier.arrive $0xFFFF  }
0x176: {  	_ =	strace $0x90000047  }
0x177: {  	s0 =	stileid.u32;
	[bflag:$0x2] =	sbarrier.arrive $0xFFFF  }
0x178: {  	p0 =	sne.s32 s0, $0x0;
	s0 =	rddreg [dreg:$0x6]  }
0x179: {  	s0 =	sadd.s32 @!p0 $0x100000, s0  }
0x17a: {  	[sflag:s0] =	ssyncadd.tile.s32 @!p0 $0x1;
	_ =	shalt  }
.Lfunc_end2:
_tile_overlayer_lowered:
.L_overlay_start_2:
0x17b: {  	(tag) =	ssettag $0x2  }
0x17c: {  	s0 =	rddreg [dreg:$0x0];
	s2 =	stileid.u32  }
0x17d: {  	s1 =	rddreg [dreg:$0x1];
	p0 =	sne.s32 s2, $0x0  }
0x17e: {  	s3 =	rddreg [dreg:$0x2];
	[bflag:$0x3] =	sbarrier.arrive $0xFFFF;
	s2 =	simm.s32 @!p0 $0x1C03  }
0x17f: {  	[timem:s3], [sflag:s2] =	dma.local @!p0 [hbm:s0], s1  }
0x180: {  	s0 =	simm.s32 @!p0 $0x3  }
0x181: {  	_ =	swait.ge @!p0 [sflag:s0], s1  }
0x182: {  	s1 =	ssub.s32 @!p0 $0x0, s1;
	[sflag:s0] =	ssyncset.done @!p0 $0x0  }
0x183: {  	[sflag:s0] =	ssyncadd.s32 @!p0 s1  }
0x184: {  	[bflag:$0x3] =	sbarrier.arrive $0xFFFF  }
0x185: {  	_ =	shalt  }

</sc_bundles>
